<compile_context>
chip_gen: v7x
topology: tpu7x:2x2x1
jax: 0.10.2.dev20260603
libtpu: 0.0.44.dev20260713+nightly
codegen_flags: <defaults>
</compile_context>

<pallas_src>
import jax
import jax.numpy as jnp
from jax.experimental import pallas as pl
from jax.experimental.pallas import tpu as pltpu
from jax.experimental.pallas import tpu_sc as plsc

_B, _E, _C, _O = 16, 576, 256, 8192
_N = _B * _E
_BETA = 0.25
_NOISE_STD = 0.5
_R = 512
_NR = _N // _R
_KT = 8192
_NK = _O // _KT


def _colsum_sq_t(st):
    s = st * st
    h = s[0:128, :] + s[128:256, :]
    acc = h[0:8, :]
    for v in range(1, 16):
        acc = acc + h[8 * v:8 * v + 8, :]
    acc = acc[0:4, :] + acc[4:8, :]
    acc = acc[0:2, :] + acc[2:4, :]
    return acc[0:1, :] + acc[1:2, :]


def _csq_body(cbt_ref, csq_ref):
    csq_ref[...] = _colsum_sq_t(cbt_ref[...])


def _dist_body(x_ref, wpre_ref, bpre_ref, cbt_ref, csq_ref, noise_ref,
               lat_ref, idet_ref, inoisy_ref, mind_ref,
               lat_s, lath_s, zsq_s, rmin_s, ridx_s):
    j = pl.program_id(1)

    @pl.when(j == 0)
    def _init():
        lat0 = jnp.dot(x_ref[...].astype(jnp.bfloat16), wpre_ref[...],
                       preferred_element_type=jnp.float32) + bpre_ref[...]
        lat_s[...] = lat0
        lath_s[...] = lat0.astype(jnp.bfloat16)
        lat_ref[...] = lat0
        zsq_s[...] = _colsum_sq_t(jnp.transpose(lat0)).reshape(_R, 1)
        rmin_s[...] = jnp.full((_R, 1), jnp.inf, jnp.float32)
        ridx_s[...] = jnp.zeros((_R, 1), jnp.int32)

    mm = jnp.dot(lath_s[...], cbt_ref[...],
                 preferred_element_type=jnp.float32)
    dist = (zsq_s[...] + csq_ref[...]) - 2.0 * mm
    tmin = jnp.min(dist, axis=1, keepdims=True)
    gidx = jax.lax.broadcasted_iota(jnp.int32, (_R, _KT), 1)
    tidx = (jnp.min(jnp.where(dist == tmin, gidx, jnp.int32(2 ** 30)),
                    axis=1, keepdims=True) + j * _KT)
    upd = tmin < rmin_s[...]
    rmin_s[...] = jnp.where(upd, tmin, rmin_s[...])
    ridx_s[...] = jnp.where(upd, tidx, ridx_s[...])

    @pl.when(j == _NK - 1)
    def _fin():
        idet = ridx_s[...]
        idet_ref[...] = idet
        mind_ref[...] = rmin_s[...]
        off = jnp.round(noise_ref[...] * _NOISE_STD).astype(jnp.int32)
        inoisy_ref[...] = jnp.clip(idet + off, 0, _O - 1)


def _sc_gather(codebook, idx_flat):
    n = idx_flat.shape[1]
    per = n // 32
    nstream = 4
    sub = per // nstream
    idx3 = idx_flat.reshape(32, nstream, sub)
    mesh = plsc.VectorSubcoreMesh(core_axis_name="core",
                                  subcore_axis_name="subcore")

    @pl.kernel(out_type=jax.ShapeDtypeStruct((n, _C), jnp.float32),
               mesh=mesh,
               scratch_types=[pltpu.VMEM((nstream, sub), jnp.int32),
                              pltpu.VMEM((per, _C), jnp.float32)]
               + [pltpu.SemaphoreType.DMA] * nstream)
    def kern(cb_hbm, i_hbm, o_hbm, ivmem, ovmem, *sems):
        c = jax.lax.axis_index("core")
        s = jax.lax.axis_index("subcore")
        u = c * 16 + s
        pltpu.sync_copy(i_hbm.at[u], ivmem)
        cps = [pltpu.make_async_copy(cb_hbm.at[ivmem.at[k]],
                                     ovmem.at[pl.ds(k * sub, sub)],
                                     sems[k])
               for k in range(nstream)]
        for cp in cps:
            cp.start()
        for cp in cps:
            cp.wait()
        pltpu.sync_copy(ovmem, o_hbm.at[pl.ds(u * per, per)])

    return kern(codebook, idx3)


def _out_body(lat_ref, q_ref, y_ref, wpost_ref, bpost_ref, mind_ref,
              out_ref, rp_ref, cp_ref, ep_ref):
    lat = lat_ref[...]
    q = q_ref[...]
    st = lat + (q - lat)
    o = jnp.dot(st.astype(jnp.bfloat16), wpost_ref[...],
                preferred_element_type=jnp.float32) + bpost_ref[...]
    out_ref[...] = o
    d0 = o - y_ref[...]
    d2 = q - lat
    z128 = jnp.zeros((1, 1, 128), jnp.float32)
    rsum = jnp.sum(jnp.sum(d0 * d0, axis=1, keepdims=True), axis=0,
                   keepdims=True)
    esum = jnp.sum(jnp.sum(d2 * d2, axis=1, keepdims=True), axis=0,
                   keepdims=True)
    csum = jnp.sum(mind_ref[...], axis=0, keepdims=True)
    rp_ref[...] = z128 + rsum.reshape(1, 1, 1)
    ep_ref[...] = z128 + esum.reshape(1, 1, 1)
    cp_ref[...] = z128 + csum.reshape(1, 1, 1)


def _loss_body(rp_ref, cp_ref, ep_ref, loss_ref):
    ntot = float(_N * _C)
    recon = jnp.sum(rp_ref[...], axis=0, keepdims=True) / ntot
    commit = _BETA * (jnp.sum(cp_ref[...], axis=0, keepdims=True) / ntot)
    embed = jnp.sum(ep_ref[...], axis=0, keepdims=True) / ntot
    loss_ref[...] = (recon + commit) + embed


def _dist_call(xf, noise, wpre_bf, bpre, cbt_bf, csq):
    n = xf.shape[0]
    nr = n // _R
    return pl.pallas_call(
        _dist_body,
        grid=(nr, _NK),
        in_specs=[
            pl.BlockSpec((_R, _C), lambda i, j: (i, 0)),
            pl.BlockSpec((_C, _C), lambda i, j: (0, 0)),
            pl.BlockSpec((1, _C), lambda i, j: (0, 0)),
            pl.BlockSpec((_C, _KT), lambda i, j: (0, j)),
            pl.BlockSpec((1, _KT), lambda i, j: (0, j)),
            pl.BlockSpec((_R, 1), lambda i, j: (i, 0)),
        ],
        out_specs=[
            pl.BlockSpec((_R, _C), lambda i, j: (i, 0)),
            pl.BlockSpec((_R, 1), lambda i, j: (i, 0)),
            pl.BlockSpec((_R, 1), lambda i, j: (i, 0)),
            pl.BlockSpec((_R, 1), lambda i, j: (i, 0)),
        ],
        out_shape=[
            jax.ShapeDtypeStruct((n, _C), jnp.float32),
            jax.ShapeDtypeStruct((n, 1), jnp.int32),
            jax.ShapeDtypeStruct((n, 1), jnp.int32),
            jax.ShapeDtypeStruct((n, 1), jnp.float32),
        ],
        scratch_shapes=[
            pltpu.VMEM((_R, _C), jnp.float32),
            pltpu.VMEM((_R, _C), jnp.bfloat16),
            pltpu.VMEM((_R, 1), jnp.float32),
            pltpu.VMEM((_R, 1), jnp.float32),
            pltpu.VMEM((_R, 1), jnp.int32),
        ],
        compiler_params=pltpu.CompilerParams(
            dimension_semantics=("parallel", "arbitrary")),
    )(xf, wpre_bf, bpre, cbt_bf, csq, noise)


def _out_call(lat, q_noisy, yf, wpost_bf, bpost, mind):
    n = lat.shape[0]
    nr = n // _R
    return pl.pallas_call(
        _out_body,
        grid=(nr,),
        in_specs=[
            pl.BlockSpec((_R, _C), lambda i: (i, 0)),
            pl.BlockSpec((_R, _C), lambda i: (i, 0)),
            pl.BlockSpec((_R, _C), lambda i: (i, 0)),
            pl.BlockSpec((_C, _C), lambda i: (0, 0)),
            pl.BlockSpec((1, _C), lambda i: (0, 0)),
            pl.BlockSpec((_R, 1), lambda i: (i, 0)),
        ],
        out_specs=[
            pl.BlockSpec((_R, _C), lambda i: (i, 0)),
            pl.BlockSpec((1, 1, 128), lambda i: (i, 0, 0)),
            pl.BlockSpec((1, 1, 128), lambda i: (i, 0, 0)),
            pl.BlockSpec((1, 1, 128), lambda i: (i, 0, 0)),
        ],
        out_shape=[
            jax.ShapeDtypeStruct((n, _C), jnp.float32),
            jax.ShapeDtypeStruct((nr, 1, 128), jnp.float32),
            jax.ShapeDtypeStruct((nr, 1, 128), jnp.float32),
            jax.ShapeDtypeStruct((nr, 1, 128), jnp.float32),
        ],
        compiler_params=pltpu.CompilerParams(
            dimension_semantics=("parallel",)),
    )(lat, q_noisy, yf, wpost_bf, bpost, mind)


_NCHUNK = 1


def kernel(x, y, noise, W_pre, b_pre, W_post, b_post, codebook):
    xf = x.reshape(_N, _C)
    yf = y.reshape(_N, _C)
    wpre_bf = W_pre.astype(jnp.bfloat16)
    wpost_bf = W_post.astype(jnp.bfloat16)
    bpre = b_pre.reshape(1, _C)
    bpost = b_post.reshape(1, _C)
    cbt = codebook.T
    cbt_bf = cbt.astype(jnp.bfloat16)

    csq = pl.pallas_call(
        _csq_body,
        out_shape=jax.ShapeDtypeStruct((1, _O), jnp.float32),
    )(cbt)

    nc = _N // _NCHUNK
    dist_res = []
    gathers = []
    for c in range(_NCHUNK):
        s = slice(c * nc, (c + 1) * nc)
        dist_res.append(_dist_call(xf[s], noise[s], wpre_bf, bpre,
                                   cbt_bf, csq))
        gathers.append(_sc_gather(codebook, dist_res[c][2].reshape(1, nc)))
    outs = []
    for c in range(_NCHUNK):
        lat, _idet, _inoisy, mind = dist_res[c]
        s = slice(c * nc, (c + 1) * nc)
        outs.append(_out_call(lat, gathers[c], yf[s], wpost_bf, bpost, mind))

    out_f = jnp.concatenate([o[0] for o in outs], axis=0)
    rp = jnp.concatenate([o[1] for o in outs], axis=0)
    cp = jnp.concatenate([o[2] for o in outs], axis=0)
    ep = jnp.concatenate([o[3] for o in outs], axis=0)

    lossv = pl.pallas_call(
        _loss_body,
        out_shape=jax.ShapeDtypeStruct((1, 1, 128), jnp.float32),
    )(rp, cp, ep)

    return out_f.reshape(_B, _E, _C), lossv[0, 0, 0]

# --- scband reference (transcript-rebuilt; emitter-appended) ---
"""Pipeline reference for scband-psn-77455440216423 (READ-ONLY COPY).

The authoritative reference and input builder live on the scoring server;
editing this copy changes nothing except your own understanding.
"""

import jax, jax.numpy as jnp
import numpy as np

B, E, C, O = 16, 576, 256, 8192
BETA = 0.25
NOISE_STD = 0.5

def setup_inputs(seed: int = 0):
    key = jax.random.key(seed)
    ks = jax.random.split(key, 8)
    x = jax.random.normal(ks[0], (B, E, C), dtype=jnp.float32)
    y = jax.random.normal(ks[1], (B, E, C), dtype=jnp.float32)
    noise = jax.random.normal(ks[2], (B * E, 1), dtype=jnp.float32)
    W_pre = jax.random.normal(ks[3], (C, C), dtype=jnp.float32) * 0.02
    b_pre = jnp.zeros((C,), dtype=jnp.float32)
    W_post = jax.random.normal(ks[4], (C, C), dtype=jnp.float32) * 0.02
    b_post = jnp.zeros((C,), dtype=jnp.float32)
    cb = jax.random.uniform(ks[5], (O, C), dtype=jnp.float32, minval=-1.0, maxval=1.0)
    cb = cb - cb.mean(axis=0)
    return {"x": x, "y": y, "noise": noise, "W_pre": W_pre, "b_pre": b_pre,
            "W_post": W_post, "b_post": b_post, "codebook": cb}

def _nearest_neighbors(flat_latents, codebook, noise):
    # dist(b, k) = ||z_b||^2 + ||c_k||^2 - 2 z_b . c_k  (same math as torch module)
    dist = (jnp.sum(flat_latents ** 2, axis=1, keepdims=True)
            + jnp.sum(codebook ** 2, axis=1)
            - 2.0 * jnp.matmul(flat_latents, codebook.T))
    inds_det = jnp.argmin(dist, axis=1, keepdims=True)
    inds_noisy = jnp.clip(inds_det + jnp.round(noise * NOISE_STD).astype(inds_det.dtype),
                          0, codebook.shape[0] - 1)
    # one_hot @ codebook is equivalent to a gather
    q_det = jnp.take(codebook, inds_det[:, 0], axis=0)
    q_noisy = jnp.take(codebook, inds_noisy[:, 0], axis=0)
    return q_det, q_noisy, inds_det, inds_noisy

def reference(x, y, noise, W_pre, b_pre, W_post, b_post, codebook):
    # pre_quantizer (linear encoder to latent space)
    latents = jnp.matmul(x, W_pre) + b_pre  # [B, E, C]
    flat = latents.reshape(B * E, C)
    q_det, q_noisy, _, _ = _nearest_neighbors(flat, codebook, noise)
    q_det = q_det.reshape(B, E, C)
    q_noisy = q_noisy.reshape(B, E, C)
    # straight-through estimator: latents + (q_noisy - latents).detach()
    st = latents + jax.lax.stop_gradient(q_noisy - latents)
    # post_quantizer (linear decoder)
    out = jnp.matmul(st, W_post) + b_post  # [B, E, C]
    # vqvae loss: recon + beta * commitment + embedding
    recon = jnp.mean((out - y) ** 2)
    commit = BETA * jnp.mean((latents - jax.lax.stop_gradient(q_det)) ** 2)
    embed = jnp.mean((q_noisy - jax.lax.stop_gradient(latents)) ** 2)
    loss = recon + commit + embed
    return out, loss

if __name__ == "__main__":
    import jax
    _d = setup_inputs()
    print(jax.jit(kernel)(*tuple(_d.values())))

</pallas_src>

<mosaic_0001>
#map = affine_map<(d0, d1) -> (0, 0)>
#map1 = affine_map<(d0, d1) -> (0, 0, 0)>
module attributes {stable_mosaic.version = 14 : i64} {
  func.func @kern(%arg0: i32, %arg1: i32, %arg2: memref<8192x256xf32, #tpu.memory_space<hbm>>, %arg3: memref<32x4x72xi32, #tpu.memory_space<hbm>>, %arg4: memref<9216x256xf32, #tpu.memory_space<hbm>>, %arg5: memref<4x72xi32, #tpu.memory_space<vmem>>, %arg6: memref<288x256xf32, #tpu.memory_space<vmem>>, %arg7: memref<!tpu.dma_semaphore, #tpu.memory_space<semaphore_mem>>, %arg8: memref<!tpu.dma_semaphore, #tpu.memory_space<semaphore_mem>>, %arg9: memref<!tpu.dma_semaphore, #tpu.memory_space<semaphore_mem>>, %arg10: memref<!tpu.dma_semaphore, #tpu.memory_space<semaphore_mem>>) attributes {dimension_semantics = [#tpu.dimension_semantics<core_parallel>, #tpu.dimension_semantics<subcore_parallel>], iteration_bounds = array<i64: 2, 16>, scalar_prefetch = 0 : i64, scratch_operands = 6 : i64, tpu.core_type = #tpu.core_type<sc_vector_subcore>, window_params = [{transform_indices = #map}, {transform_indices = #map1}, {transform_indices = #map}]} {
    %mul3A = arith.constant 16 : i32
    %mul3A_0 = arith.muli %arg0, %mul3A : i32
    %add3A = arith.addi %mul3A_0, %arg1 : i32
    "tpu.region"() ({
      %run_scoped3A = tpu.sem_alloc : memref<!tpu.dma_semaphore, #tpu.memory_space<semaphore_mem>>
      %dma_start3A_81 = arith.constant 0 : i32
      %dma_start3A_82 = arith.constant 0 : i32
      %dma_start3A_83 = tpu.memref_slice %arg3[%add3A, %dma_start3A_81, %dma_start3A_82] : memref<32x4x72xi32, #tpu.memory_space<hbm>> -> memref<1x4x72xi32, #tpu.memory_space<hbm>>
      %dma_start3A_84 = tpu.memref_squeeze %dma_start3A_83 : memref<1x4x72xi32, #tpu.memory_space<hbm>> -> memref<4x72xi32, #tpu.memory_space<hbm>>
      %dma_start3A_85 = arith.constant 0 : i32
      %dma_start3A_86 = arith.constant 0 : i32
      %dma_start3A_87 = tpu.memref_slice %arg3[%add3A, %dma_start3A_85, %dma_start3A_86] : memref<32x4x72xi32, #tpu.memory_space<hbm>> -> memref<1x4x72xi32, #tpu.memory_space<hbm>>
      %dma_start3A_88 = tpu.memref_squeeze %dma_start3A_87 : memref<1x4x72xi32, #tpu.memory_space<hbm>> -> memref<4x72xi32, #tpu.memory_space<hbm>>
      tpu.enqueue_dma source(%dma_start3A_88 : memref<4x72xi32, #tpu.memory_space<hbm>>) target(%arg5 : memref<4x72xi32, #tpu.memory_space<vmem>>) target_semaphore(%run_scoped3A : memref<!tpu.dma_semaphore, #tpu.memory_space<semaphore_mem>>)
      %dma_wait3A_89 = arith.constant 0 : i32
      %dma_wait3A_90 = arith.constant 0 : i32
      %dma_wait3A_91 = tpu.memref_slice %arg3[%add3A, %dma_wait3A_89, %dma_wait3A_90] : memref<32x4x72xi32, #tpu.memory_space<hbm>> -> memref<1x4x72xi32, #tpu.memory_space<hbm>>
      %dma_wait3A_92 = tpu.memref_squeeze %dma_wait3A_91 : memref<1x4x72xi32, #tpu.memory_space<hbm>> -> memref<4x72xi32, #tpu.memory_space<hbm>>
      %dma_wait3A_93 = arith.constant 0 : i32
      %dma_wait3A_94 = arith.constant 0 : i32
      %dma_wait3A_95 = tpu.memref_slice %arg3[%add3A, %dma_wait3A_93, %dma_wait3A_94] : memref<32x4x72xi32, #tpu.memory_space<hbm>> -> memref<1x4x72xi32, #tpu.memory_space<hbm>>
      %dma_wait3A_96 = tpu.memref_squeeze %dma_wait3A_95 : memref<1x4x72xi32, #tpu.memory_space<hbm>> -> memref<4x72xi32, #tpu.memory_space<hbm>>
      tpu.wait_dma2 semaphore(%run_scoped3A : memref<!tpu.dma_semaphore, #tpu.memory_space<semaphore_mem>>) src(%dma_wait3A_96 : memref<4x72xi32, #tpu.memory_space<hbm>>) dst(%arg5 : memref<4x72xi32, #tpu.memory_space<vmem>>)
      tpu.yield
    }) : () -> ()
    %dma_start3A = arith.constant 0 : i32
    %dma_start3A_1 = arith.constant 0 : i32
    %dma_start3A_2 = arith.constant 0 : i32
    %dma_start3A_3 = tpu.memref_slice %arg6[%dma_start3A_1, %dma_start3A_2] : memref<288x256xf32, #tpu.memory_space<vmem>> -> memref<72x256xf32, #tpu.memory_space<vmem>>
    %dma_start3A_4 = arith.constant 0 : i32
    %dma_start3A_5 = tpu.memref_slice %arg5[%dma_start3A, %dma_start3A_4] : memref<4x72xi32, #tpu.memory_space<vmem>> -> memref<1x72xi32, #tpu.memory_space<vmem>>
    %dma_start3A_6 = tpu.memref_squeeze %dma_start3A_5 : memref<1x72xi32, #tpu.memory_space<vmem>> -> memref<72xi32, #tpu.memory_space<vmem>>
    %dma_start3A_7 = arith.constant 0 : i32
    %dma_start3A_8 = arith.constant 0 : i32
    %dma_start3A_9 = tpu.memref_slice %arg2[%dma_start3A_7, %dma_start3A_8] : memref<8192x256xf32, #tpu.memory_space<hbm>> -> memref<8192x256xf32, #tpu.memory_space<hbm>>
    tpu.enqueue_indirect_dma source(%dma_start3A_9 : memref<8192x256xf32, #tpu.memory_space<hbm>>) target(%dma_start3A_3 : memref<72x256xf32, #tpu.memory_space<vmem>>) offsets(%dma_start3A_6 : memref<72xi32, #tpu.memory_space<vmem>>) semaphore(%arg7 : memref<!tpu.dma_semaphore, #tpu.memory_space<semaphore_mem>>)
    %dma_start3A_10 = arith.constant 1 : i32
    %dma_start3A_11 = arith.constant 72 : i32
    %dma_start3A_12 = arith.constant 0 : i32
    %dma_start3A_13 = tpu.memref_slice %arg6[%dma_start3A_11, %dma_start3A_12] : memref<288x256xf32, #tpu.memory_space<vmem>> -> memref<72x256xf32, #tpu.memory_space<vmem>>
    %dma_start3A_14 = arith.constant 0 : i32
    %dma_start3A_15 = tpu.memref_slice %arg5[%dma_start3A_10, %dma_start3A_14] : memref<4x72xi32, #tpu.memory_space<vmem>> -> memref<1x72xi32, #tpu.memory_space<vmem>>
    %dma_start3A_16 = tpu.memref_squeeze %dma_start3A_15 : memref<1x72xi32, #tpu.memory_space<vmem>> -> memref<72xi32, #tpu.memory_space<vmem>>
    %dma_start3A_17 = arith.constant 0 : i32
    %dma_start3A_18 = arith.constant 0 : i32
    %dma_start3A_19 = tpu.memref_slice %arg2[%dma_start3A_17, %dma_start3A_18] : memref<8192x256xf32, #tpu.memory_space<hbm>> -> memref<8192x256xf32, #tpu.memory_space<hbm>>
    tpu.enqueue_indirect_dma source(%dma_start3A_19 : memref<8192x256xf32, #tpu.memory_space<hbm>>) target(%dma_start3A_13 : memref<72x256xf32, #tpu.memory_space<vmem>>) offsets(%dma_start3A_16 : memref<72xi32, #tpu.memory_space<vmem>>) semaphore(%arg8 : memref<!tpu.dma_semaphore, #tpu.memory_space<semaphore_mem>>)
    %dma_start3A_20 = arith.constant 2 : i32
    %dma_start3A_21 = arith.constant 144 : i32
    %dma_start3A_22 = arith.constant 0 : i32
    %dma_start3A_23 = tpu.memref_slice %arg6[%dma_start3A_21, %dma_start3A_22] : memref<288x256xf32, #tpu.memory_space<vmem>> -> memref<72x256xf32, #tpu.memory_space<vmem>>
    %dma_start3A_24 = arith.constant 0 : i32
    %dma_start3A_25 = tpu.memref_slice %arg5[%dma_start3A_20, %dma_start3A_24] : memref<4x72xi32, #tpu.memory_space<vmem>> -> memref<1x72xi32, #tpu.memory_space<vmem>>
    %dma_start3A_26 = tpu.memref_squeeze %dma_start3A_25 : memref<1x72xi32, #tpu.memory_space<vmem>> -> memref<72xi32, #tpu.memory_space<vmem>>
    %dma_start3A_27 = arith.constant 0 : i32
    %dma_start3A_28 = arith.constant 0 : i32
    %dma_start3A_29 = tpu.memref_slice %arg2[%dma_start3A_27, %dma_start3A_28] : memref<8192x256xf32, #tpu.memory_space<hbm>> -> memref<8192x256xf32, #tpu.memory_space<hbm>>
    tpu.enqueue_indirect_dma source(%dma_start3A_29 : memref<8192x256xf32, #tpu.memory_space<hbm>>) target(%dma_start3A_23 : memref<72x256xf32, #tpu.memory_space<vmem>>) offsets(%dma_start3A_26 : memref<72xi32, #tpu.memory_space<vmem>>) semaphore(%arg9 : memref<!tpu.dma_semaphore, #tpu.memory_space<semaphore_mem>>)
    %dma_start3A_30 = arith.constant 3 : i32
    %dma_start3A_31 = arith.constant 216 : i32
    %dma_start3A_32 = arith.constant 0 : i32
    %dma_start3A_33 = tpu.memref_slice %arg6[%dma_start3A_31, %dma_start3A_32] : memref<288x256xf32, #tpu.memory_space<vmem>> -> memref<72x256xf32, #tpu.memory_space<vmem>>
    %dma_start3A_34 = arith.constant 0 : i32
    %dma_start3A_35 = tpu.memref_slice %arg5[%dma_start3A_30, %dma_start3A_34] : memref<4x72xi32, #tpu.memory_space<vmem>> -> memref<1x72xi32, #tpu.memory_space<vmem>>
    %dma_start3A_36 = tpu.memref_squeeze %dma_start3A_35 : memref<1x72xi32, #tpu.memory_space<vmem>> -> memref<72xi32, #tpu.memory_space<vmem>>
    %dma_start3A_37 = arith.constant 0 : i32
    %dma_start3A_38 = arith.constant 0 : i32
    %dma_start3A_39 = tpu.memref_slice %arg2[%dma_start3A_37, %dma_start3A_38] : memref<8192x256xf32, #tpu.memory_space<hbm>> -> memref<8192x256xf32, #tpu.memory_space<hbm>>
    tpu.enqueue_indirect_dma source(%dma_start3A_39 : memref<8192x256xf32, #tpu.memory_space<hbm>>) target(%dma_start3A_33 : memref<72x256xf32, #tpu.memory_space<vmem>>) offsets(%dma_start3A_36 : memref<72xi32, #tpu.memory_space<vmem>>) semaphore(%arg10 : memref<!tpu.dma_semaphore, #tpu.memory_space<semaphore_mem>>)
    %dma_wait3A = arith.constant 0 : i32
    %dma_wait3A_40 = arith.constant 0 : i32
    %dma_wait3A_41 = arith.constant 0 : i32
    %dma_wait3A_42 = tpu.memref_slice %arg6[%dma_wait3A_40, %dma_wait3A_41] : memref<288x256xf32, #tpu.memory_space<vmem>> -> memref<72x256xf32, #tpu.memory_space<vmem>>
    %dma_wait3A_43 = arith.constant 0 : i32
    %dma_wait3A_44 = tpu.memref_slice %arg5[%dma_wait3A, %dma_wait3A_43] : memref<4x72xi32, #tpu.memory_space<vmem>> -> memref<1x72xi32, #tpu.memory_space<vmem>>
    %dma_wait3A_45 = tpu.memref_squeeze %dma_wait3A_44 : memref<1x72xi32, #tpu.memory_space<vmem>> -> memref<72xi32, #tpu.memory_space<vmem>>
    %dma_wait3A_46 = arith.constant 0 : i32
    %dma_wait3A_47 = arith.constant 0 : i32
    %dma_wait3A_48 = tpu.memref_slice %arg2[%dma_wait3A_46, %dma_wait3A_47] : memref<8192x256xf32, #tpu.memory_space<hbm>> -> memref<8192x256xf32, #tpu.memory_space<hbm>>
    tpu.wait_indirect_dma semaphore(%arg7 : memref<!tpu.dma_semaphore, #tpu.memory_space<semaphore_mem>>) src(%dma_wait3A_48 : memref<8192x256xf32, #tpu.memory_space<hbm>>) dst(%dma_wait3A_42 : memref<72x256xf32, #tpu.memory_space<vmem>>)
    %dma_wait3A_49 = arith.constant 1 : i32
    %dma_wait3A_50 = arith.constant 72 : i32
    %dma_wait3A_51 = arith.constant 0 : i32
    %dma_wait3A_52 = tpu.memref_slice %arg6[%dma_wait3A_50, %dma_wait3A_51] : memref<288x256xf32, #tpu.memory_space<vmem>> -> memref<72x256xf32, #tpu.memory_space<vmem>>
    %dma_wait3A_53 = arith.constant 0 : i32
    %dma_wait3A_54 = tpu.memref_slice %arg5[%dma_wait3A_49, %dma_wait3A_53] : memref<4x72xi32, #tpu.memory_space<vmem>> -> memref<1x72xi32, #tpu.memory_space<vmem>>
    %dma_wait3A_55 = tpu.memref_squeeze %dma_wait3A_54 : memref<1x72xi32, #tpu.memory_space<vmem>> -> memref<72xi32, #tpu.memory_space<vmem>>
    %dma_wait3A_56 = arith.constant 0 : i32
    %dma_wait3A_57 = arith.constant 0 : i32
    %dma_wait3A_58 = tpu.memref_slice %arg2[%dma_wait3A_56, %dma_wait3A_57] : memref<8192x256xf32, #tpu.memory_space<hbm>> -> memref<8192x256xf32, #tpu.memory_space<hbm>>
    tpu.wait_indirect_dma semaphore(%arg8 : memref<!tpu.dma_semaphore, #tpu.memory_space<semaphore_mem>>) src(%dma_wait3A_58 : memref<8192x256xf32, #tpu.memory_space<hbm>>) dst(%dma_wait3A_52 : memref<72x256xf32, #tpu.memory_space<vmem>>)
    %dma_wait3A_59 = arith.constant 2 : i32
    %dma_wait3A_60 = arith.constant 144 : i32
    %dma_wait3A_61 = arith.constant 0 : i32
    %dma_wait3A_62 = tpu.memref_slice %arg6[%dma_wait3A_60, %dma_wait3A_61] : memref<288x256xf32, #tpu.memory_space<vmem>> -> memref<72x256xf32, #tpu.memory_space<vmem>>
    %dma_wait3A_63 = arith.constant 0 : i32
    %dma_wait3A_64 = tpu.memref_slice %arg5[%dma_wait3A_59, %dma_wait3A_63] : memref<4x72xi32, #tpu.memory_space<vmem>> -> memref<1x72xi32, #tpu.memory_space<vmem>>
    %dma_wait3A_65 = tpu.memref_squeeze %dma_wait3A_64 : memref<1x72xi32, #tpu.memory_space<vmem>> -> memref<72xi32, #tpu.memory_space<vmem>>
    %dma_wait3A_66 = arith.constant 0 : i32
    %dma_wait3A_67 = arith.constant 0 : i32
    %dma_wait3A_68 = tpu.memref_slice %arg2[%dma_wait3A_66, %dma_wait3A_67] : memref<8192x256xf32, #tpu.memory_space<hbm>> -> memref<8192x256xf32, #tpu.memory_space<hbm>>
    tpu.wait_indirect_dma semaphore(%arg9 : memref<!tpu.dma_semaphore, #tpu.memory_space<semaphore_mem>>) src(%dma_wait3A_68 : memref<8192x256xf32, #tpu.memory_space<hbm>>) dst(%dma_wait3A_62 : memref<72x256xf32, #tpu.memory_space<vmem>>)
    %dma_wait3A_69 = arith.constant 3 : i32
    %dma_wait3A_70 = arith.constant 216 : i32
    %dma_wait3A_71 = arith.constant 0 : i32
    %dma_wait3A_72 = tpu.memref_slice %arg6[%dma_wait3A_70, %dma_wait3A_71] : memref<288x256xf32, #tpu.memory_space<vmem>> -> memref<72x256xf32, #tpu.memory_space<vmem>>
    %dma_wait3A_73 = arith.constant 0 : i32
    %dma_wait3A_74 = tpu.memref_slice %arg5[%dma_wait3A_69, %dma_wait3A_73] : memref<4x72xi32, #tpu.memory_space<vmem>> -> memref<1x72xi32, #tpu.memory_space<vmem>>
    %dma_wait3A_75 = tpu.memref_squeeze %dma_wait3A_74 : memref<1x72xi32, #tpu.memory_space<vmem>> -> memref<72xi32, #tpu.memory_space<vmem>>
    %dma_wait3A_76 = arith.constant 0 : i32
    %dma_wait3A_77 = arith.constant 0 : i32
    %dma_wait3A_78 = tpu.memref_slice %arg2[%dma_wait3A_76, %dma_wait3A_77] : memref<8192x256xf32, #tpu.memory_space<hbm>> -> memref<8192x256xf32, #tpu.memory_space<hbm>>
    tpu.wait_indirect_dma semaphore(%arg10 : memref<!tpu.dma_semaphore, #tpu.memory_space<semaphore_mem>>) src(%dma_wait3A_78 : memref<8192x256xf32, #tpu.memory_space<hbm>>) dst(%dma_wait3A_72 : memref<72x256xf32, #tpu.memory_space<vmem>>)
    %mul3A_79 = arith.constant 288 : i32
    %mul3A_80 = arith.muli %add3A, %mul3A_79 : i32
    "tpu.region"() ({
      %run_scoped3A = tpu.sem_alloc : memref<!tpu.dma_semaphore, #tpu.memory_space<semaphore_mem>>
      %dma_start3A_81 = arith.constant 0 : i32
      %dma_start3A_82 = tpu.memref_slice %arg4[%mul3A_80, %dma_start3A_81] : memref<9216x256xf32, #tpu.memory_space<hbm>> -> memref<288x256xf32, #tpu.memory_space<hbm>>
      %dma_start3A_83 = arith.constant 0 : i32
      %dma_start3A_84 = tpu.memref_slice %arg4[%mul3A_80, %dma_start3A_83] : memref<9216x256xf32, #tpu.memory_space<hbm>> -> memref<288x256xf32, #tpu.memory_space<hbm>>
      tpu.enqueue_dma source(%arg6 : memref<288x256xf32, #tpu.memory_space<vmem>>) target(%dma_start3A_84 : memref<288x256xf32, #tpu.memory_space<hbm>>) target_semaphore(%run_scoped3A : memref<!tpu.dma_semaphore, #tpu.memory_space<semaphore_mem>>)
      %dma_wait3A_85 = arith.constant 0 : i32
      %dma_wait3A_86 = tpu.memref_slice %arg4[%mul3A_80, %dma_wait3A_85] : memref<9216x256xf32, #tpu.memory_space<hbm>> -> memref<288x256xf32, #tpu.memory_space<hbm>>
      %dma_wait3A_87 = arith.constant 0 : i32
      %dma_wait3A_88 = tpu.memref_slice %arg4[%mul3A_80, %dma_wait3A_87] : memref<9216x256xf32, #tpu.memory_space<hbm>> -> memref<288x256xf32, #tpu.memory_space<hbm>>
      tpu.wait_dma2 semaphore(%run_scoped3A : memref<!tpu.dma_semaphore, #tpu.memory_space<semaphore_mem>>) src(%arg6 : memref<288x256xf32, #tpu.memory_space<vmem>>) dst(%dma_wait3A_88 : memref<288x256xf32, #tpu.memory_space<hbm>>)
      tpu.yield
    }) : () -> ()
    return
  }
}

module attributes {stable_mosaic.version = 14 : i64} {
  func.func @_csq_body(%arg0: memref<256x8192xf32, #tpu.memory_space<vmem>>, %arg1: memref<1x8192xf32, #tpu.memory_space<vmem>>) attributes {dimension_semantics = [], scalar_prefetch = 0 : i64, scratch_operands = 0 : i64, tpu.core_type = #tpu.core_type<tc>} {
    %get3A = arith.constant 0 : index
    %get3A_0 = arith.constant 0 : index
    %get3A_1 = vector.load %arg0[%get3A, %get3A_0] : memref<256x8192xf32, #tpu.memory_space<vmem>>, vector<256x8192xf32>
    %mul3A = arith.mulf %get3A_1, %get3A_1 : vector<256x8192xf32>
    %slice3A = vector.extract_strided_slice %mul3A {offsets = [0, 0], sizes = [128, 8192], strides = [1, 1]} : vector<256x8192xf32> to vector<128x8192xf32>
    %slice3A_2 = vector.extract_strided_slice %mul3A {offsets = [128, 0], sizes = [128, 8192], strides = [1, 1]} : vector<256x8192xf32> to vector<128x8192xf32>
    %add3A = arith.addf %slice3A, %slice3A_2 : vector<128x8192xf32>
    %slice3A_3 = vector.extract_strided_slice %add3A {offsets = [0, 0], sizes = [8, 8192], strides = [1, 1]} : vector<128x8192xf32> to vector<8x8192xf32>
    %slice3A_4 = vector.extract_strided_slice %add3A {offsets = [8, 0], sizes = [8, 8192], strides = [1, 1]} : vector<128x8192xf32> to vector<8x8192xf32>
    %add3A_5 = arith.addf %slice3A_3, %slice3A_4 : vector<8x8192xf32>
    %slice3A_6 = vector.extract_strided_slice %add3A {offsets = [16, 0], sizes = [8, 8192], strides = [1, 1]} : vector<128x8192xf32> to vector<8x8192xf32>
    %add3A_7 = arith.addf %add3A_5, %slice3A_6 : vector<8x8192xf32>
    %slice3A_8 = vector.extract_strided_slice %add3A {offsets = [24, 0], sizes = [8, 8192], strides = [1, 1]} : vector<128x8192xf32> to vector<8x8192xf32>
    %add3A_9 = arith.addf %add3A_7, %slice3A_8 : vector<8x8192xf32>
    %slice3A_10 = vector.extract_strided_slice %add3A {offsets = [32, 0], sizes = [8, 8192], strides = [1, 1]} : vector<128x8192xf32> to vector<8x8192xf32>
    %add3A_11 = arith.addf %add3A_9, %slice3A_10 : vector<8x8192xf32>
    %slice3A_12 = vector.extract_strided_slice %add3A {offsets = [40, 0], sizes = [8, 8192], strides = [1, 1]} : vector<128x8192xf32> to vector<8x8192xf32>
    %add3A_13 = arith.addf %add3A_11, %slice3A_12 : vector<8x8192xf32>
    %slice3A_14 = vector.extract_strided_slice %add3A {offsets = [48, 0], sizes = [8, 8192], strides = [1, 1]} : vector<128x8192xf32> to vector<8x8192xf32>
    %add3A_15 = arith.addf %add3A_13, %slice3A_14 : vector<8x8192xf32>
    %slice3A_16 = vector.extract_strided_slice %add3A {offsets = [56, 0], sizes = [8, 8192], strides = [1, 1]} : vector<128x8192xf32> to vector<8x8192xf32>
    %add3A_17 = arith.addf %add3A_15, %slice3A_16 : vector<8x8192xf32>
    %slice3A_18 = vector.extract_strided_slice %add3A {offsets = [64, 0], sizes = [8, 8192], strides = [1, 1]} : vector<128x8192xf32> to vector<8x8192xf32>
    %add3A_19 = arith.addf %add3A_17, %slice3A_18 : vector<8x8192xf32>
    %slice3A_20 = vector.extract_strided_slice %add3A {offsets = [72, 0], sizes = [8, 8192], strides = [1, 1]} : vector<128x8192xf32> to vector<8x8192xf32>
    %add3A_21 = arith.addf %add3A_19, %slice3A_20 : vector<8x8192xf32>
    %slice3A_22 = vector.extract_strided_slice %add3A {offsets = [80, 0], sizes = [8, 8192], strides = [1, 1]} : vector<128x8192xf32> to vector<8x8192xf32>
    %add3A_23 = arith.addf %add3A_21, %slice3A_22 : vector<8x8192xf32>
    %slice3A_24 = vector.extract_strided_slice %add3A {offsets = [88, 0], sizes = [8, 8192], strides = [1, 1]} : vector<128x8192xf32> to vector<8x8192xf32>
    %add3A_25 = arith.addf %add3A_23, %slice3A_24 : vector<8x8192xf32>
    %slice3A_26 = vector.extract_strided_slice %add3A {offsets = [96, 0], sizes = [8, 8192], strides = [1, 1]} : vector<128x8192xf32> to vector<8x8192xf32>
    %add3A_27 = arith.addf %add3A_25, %slice3A_26 : vector<8x8192xf32>
    %slice3A_28 = vector.extract_strided_slice %add3A {offsets = [104, 0], sizes = [8, 8192], strides = [1, 1]} : vector<128x8192xf32> to vector<8x8192xf32>
    %add3A_29 = arith.addf %add3A_27, %slice3A_28 : vector<8x8192xf32>
    %slice3A_30 = vector.extract_strided_slice %add3A {offsets = [112, 0], sizes = [8, 8192], strides = [1, 1]} : vector<128x8192xf32> to vector<8x8192xf32>
    %add3A_31 = arith.addf %add3A_29, %slice3A_30 : vector<8x8192xf32>
    %slice3A_32 = vector.extract_strided_slice %add3A {offsets = [120, 0], sizes = [8, 8192], strides = [1, 1]} : vector<128x8192xf32> to vector<8x8192xf32>
    %add3A_33 = arith.addf %add3A_31, %slice3A_32 : vector<8x8192xf32>
    %slice3A_34 = vector.extract_strided_slice %add3A_33 {offsets = [0, 0], sizes = [4, 8192], strides = [1, 1]} : vector<8x8192xf32> to vector<4x8192xf32>
    %slice3A_35 = vector.extract_strided_slice %add3A_33 {offsets = [4, 0], sizes = [4, 8192], strides = [1, 1]} : vector<8x8192xf32> to vector<4x8192xf32>
    %add3A_36 = arith.addf %slice3A_34, %slice3A_35 : vector<4x8192xf32>
    %slice3A_37 = vector.extract_strided_slice %add3A_36 {offsets = [0, 0], sizes = [2, 8192], strides = [1, 1]} : vector<4x8192xf32> to vector<2x8192xf32>
    %slice3A_38 = vector.extract_strided_slice %add3A_36 {offsets = [2, 0], sizes = [2, 8192], strides = [1, 1]} : vector<4x8192xf32> to vector<2x8192xf32>
    %add3A_39 = arith.addf %slice3A_37, %slice3A_38 : vector<2x8192xf32>
    %slice3A_40 = vector.extract_strided_slice %add3A_39 {offsets = [0, 0], sizes = [1, 8192], strides = [1, 1]} : vector<2x8192xf32> to vector<1x8192xf32>
    %slice3A_41 = vector.extract_strided_slice %add3A_39 {offsets = [1, 0], sizes = [1, 8192], strides = [1, 1]} : vector<2x8192xf32> to vector<1x8192xf32>
    %add3A_42 = arith.addf %slice3A_40, %slice3A_41 : vector<1x8192xf32>
    %swap3A = arith.constant 0 : index
    %swap3A_43 = arith.constant 0 : index
    %swap3A_44 = vector.load %arg1[%swap3A, %swap3A_43] : memref<1x8192xf32, #tpu.memory_space<vmem>>, vector<1x8192xf32>
    tpu.vector_store %arg1[%swap3A, %swap3A_43], %add3A_42 {strides = array<i32>} : memref<1x8192xf32, #tpu.memory_space<vmem>>, vector<1x8192xf32>,
    return
  }
}

module attributes {stable_mosaic.version = 14 : i64} {
  func.func @_dist_body(%arg0: i32, %arg1: i32, %arg2: memref<512x256xf32, #tpu.memory_space<vmem>>, %arg3: memref<256x256xbf16, #tpu.memory_space<vmem>>, %arg4: memref<1x256xf32, #tpu.memory_space<vmem>>, %arg5: memref<256x8192xbf16, #tpu.memory_space<vmem>>, %arg6: memref<1x8192xf32, #tpu.memory_space<vmem>>, %arg7: memref<512x1xf32, #tpu.memory_space<vmem>>, %arg8: memref<512x256xf32, #tpu.memory_space<vmem>>, %arg9: memref<512x1xi32, #tpu.memory_space<vmem>>, %arg10: memref<512x1xi32, #tpu.memory_space<vmem>>, %arg11: memref<512x1xf32, #tpu.memory_space<vmem>>, %arg12: memref<512x256xf32, #tpu.memory_space<vmem>>, %arg13: memref<512x256xbf16, #tpu.memory_space<vmem>>, %arg14: memref<512x1xf32, #tpu.memory_space<vmem>>, %arg15: memref<512x1xf32, #tpu.memory_space<vmem>>, %arg16: memref<512x1xi32, #tpu.memory_space<vmem>>) attributes {dimension_semantics = [#tpu.dimension_semantics<parallel>, #tpu.dimension_semantics<arbitrary>], iteration_bounds = array<i64: 18, 1>, scalar_prefetch = 0 : i64, scratch_operands = 5 : i64, tpu.core_type = #tpu.core_type<tc>, window_params = [{transform_indices = @transform_0, window_bounds = array<i64: 512, 256>}, {pipeline_mode = #tpu.pipeline_mode<synchronous>, transform_indices = @transform_1, window_bounds = array<i64: 256, 256>}, {pipeline_mode = #tpu.pipeline_mode<synchronous>, transform_indices = @transform_2, window_bounds = array<i64: 1, 256>}, {transform_indices = @transform_3, window_bounds = array<i64: 256, 8192>}, {transform_indices = @transform_4, window_bounds = array<i64: 1, 8192>}, {transform_indices = @transform_5, window_bounds = array<i64: 512, 1>}, {transform_indices = @transform_6, window_bounds = array<i64: 512, 256>}, {transform_indices = @transform_7, window_bounds = array<i64: 512, 1>}, {transform_indices = @transform_8, window_bounds = array<i64: 512, 1>}, {transform_indices = @transform_9, window_bounds = array<i64: 512, 1>}]} {
    %eq3A = arith.constant 0 : i32
    %eq3A_0 = arith.cmpi eq, %arg1, %eq3A : i32
    %convert_element_type3A = arith.extui %eq3A_0 : i1 to i32
    %cond3A = arith.constant 0 : i32
    %cond3A_1 = arith.cmpi ne, %convert_element_type3A, %cond3A : i32
    scf.if %cond3A_1 {
      %get3A_50 = arith.constant 0 : index
      %get3A_51 = arith.constant 0 : index
      %get3A_52 = vector.load %arg2[%get3A_50, %get3A_51] : memref<512x256xf32, #tpu.memory_space<vmem>>, vector<512x256xf32>
      %convert_element_type3A_53 = arith.truncf %get3A_52 : vector<512x256xf32> to vector<512x256xbf16>
      %get3A_54 = arith.constant 0 : index
      %get3A_55 = arith.constant 0 : index
      %get3A_56 = vector.load %arg3[%get3A_54, %get3A_55] : memref<256x256xbf16, #tpu.memory_space<vmem>>, vector<256x256xbf16>
      %dot_general3A_57 = arith.constant dense<0.000000e+00> : vector<512x256xf32>
      %dot_general3A_58 = tpu.matmul %convert_element_type3A_53, %get3A_56, %dot_general3A_57 {dimension_numbers = #tpu.dot_dimension_numbers<[1], [0], [0], [1], [0, 0, 1, 1], [], []>, transpose_lhs_hint = false} : vector<512x256xbf16>, vector<256x256xbf16>, vector<512x256xf32> -> vector<512x256xf32>
      %get3A_59 = arith.constant 0 : index
      %get3A_60 = arith.constant 0 : index
      %get3A_61 = vector.load %arg4[%get3A_59, %get3A_60] : memref<1x256xf32, #tpu.memory_space<vmem>>, vector<1x256xf32>
      %add3A_62 = vector.broadcast %get3A_61 : vector<1x256xf32> to vector<512x256xf32>
      %add3A_63 = arith.addf %dot_general3A_58, %add3A_62 : vector<512x256xf32>
      %swap3A_64 = arith.constant 0 : index
      %swap3A_65 = arith.constant 0 : index
      %swap3A_66 = vector.load %arg12[%swap3A_64, %swap3A_65] : memref<512x256xf32, #tpu.memory_space<vmem>>, vector<512x256xf32>
      tpu.vector_store %arg12[%swap3A_64, %swap3A_65], %add3A_63 {strides = array<i32>} : memref<512x256xf32, #tpu.memory_space<vmem>>, vector<512x256xf32>,
      %convert_element_type3A_67 = arith.truncf %add3A_63 : vector<512x256xf32> to vector<512x256xbf16>
      %swap3A_68 = arith.constant 0 : index
      %swap3A_69 = arith.constant 0 : index
      %swap3A_70 = vector.load %arg13[%swap3A_68, %swap3A_69] : memref<512x256xbf16, #tpu.memory_space<vmem>>, vector<512x256xbf16>
      tpu.vector_store %arg13[%swap3A_68, %swap3A_69], %convert_element_type3A_67 {strides = array<i32>} : memref<512x256xbf16, #tpu.memory_space<vmem>>, vector<512x256xbf16>,
      %swap3A_71 = arith.constant 0 : index
      %swap3A_72 = arith.constant 0 : index
      %swap3A_73 = vector.load %arg8[%swap3A_71, %swap3A_72] : memref<512x256xf32, #tpu.memory_space<vmem>>, vector<512x256xf32>
      tpu.vector_store %arg8[%swap3A_71, %swap3A_72], %add3A_63 {strides = array<i32>} : memref<512x256xf32, #tpu.memory_space<vmem>>, vector<512x256xf32>,
      %transpose3A = tpu.transpose %add3A_63, [1, 0] : vector<512x256xf32> -> vector<256x512xf32>
      %mul3A_74 = arith.mulf %transpose3A, %transpose3A : vector<256x512xf32>
      %slice3A = vector.extract_strided_slice %mul3A_74 {offsets = [0, 0], sizes = [128, 512], strides = [1, 1]} : vector<256x512xf32> to vector<128x512xf32>
      %slice3A_75 = vector.extract_strided_slice %mul3A_74 {offsets = [128, 0], sizes = [128, 512], strides = [1, 1]} : vector<256x512xf32> to vector<128x512xf32>
      %add3A_76 = arith.addf %slice3A, %slice3A_75 : vector<128x512xf32>
      %slice3A_77 = vector.extract_strided_slice %add3A_76 {offsets = [0, 0], sizes = [8, 512], strides = [1, 1]} : vector<128x512xf32> to vector<8x512xf32>
      %slice3A_78 = vector.extract_strided_slice %add3A_76 {offsets = [8, 0], sizes = [8, 512], strides = [1, 1]} : vector<128x512xf32> to vector<8x512xf32>
      %add3A_79 = arith.addf %slice3A_77, %slice3A_78 : vector<8x512xf32>
      %slice3A_80 = vector.extract_strided_slice %add3A_76 {offsets = [16, 0], sizes = [8, 512], strides = [1, 1]} : vector<128x512xf32> to vector<8x512xf32>
      %add3A_81 = arith.addf %add3A_79, %slice3A_80 : vector<8x512xf32>
      %slice3A_82 = vector.extract_strided_slice %add3A_76 {offsets = [24, 0], sizes = [8, 512], strides = [1, 1]} : vector<128x512xf32> to vector<8x512xf32>
      %add3A_83 = arith.addf %add3A_81, %slice3A_82 : vector<8x512xf32>
      %slice3A_84 = vector.extract_strided_slice %add3A_76 {offsets = [32, 0], sizes = [8, 512], strides = [1, 1]} : vector<128x512xf32> to vector<8x512xf32>
      %add3A_85 = arith.addf %add3A_83, %slice3A_84 : vector<8x512xf32>
      %slice3A_86 = vector.extract_strided_slice %add3A_76 {offsets = [40, 0], sizes = [8, 512], strides = [1, 1]} : vector<128x512xf32> to vector<8x512xf32>
      %add3A_87 = arith.addf %add3A_85, %slice3A_86 : vector<8x512xf32>
      %slice3A_88 = vector.extract_strided_slice %add3A_76 {offsets = [48, 0], sizes = [8, 512], strides = [1, 1]} : vector<128x512xf32> to vector<8x512xf32>
      %add3A_89 = arith.addf %add3A_87, %slice3A_88 : vector<8x512xf32>
      %slice3A_90 = vector.extract_strided_slice %add3A_76 {offsets = [56, 0], sizes = [8, 512], strides = [1, 1]} : vector<128x512xf32> to vector<8x512xf32>
      %add3A_91 = arith.addf %add3A_89, %slice3A_90 : vector<8x512xf32>
      %slice3A_92 = vector.extract_strided_slice %add3A_76 {offsets = [64, 0], sizes = [8, 512], strides = [1, 1]} : vector<128x512xf32> to vector<8x512xf32>
      %add3A_93 = arith.addf %add3A_91, %slice3A_92 : vector<8x512xf32>
      %slice3A_94 = vector.extract_strided_slice %add3A_76 {offsets = [72, 0], sizes = [8, 512], strides = [1, 1]} : vector<128x512xf32> to vector<8x512xf32>
      %add3A_95 = arith.addf %add3A_93, %slice3A_94 : vector<8x512xf32>
      %slice3A_96 = vector.extract_strided_slice %add3A_76 {offsets = [80, 0], sizes = [8, 512], strides = [1, 1]} : vector<128x512xf32> to vector<8x512xf32>
      %add3A_97 = arith.addf %add3A_95, %slice3A_96 : vector<8x512xf32>
      %slice3A_98 = vector.extract_strided_slice %add3A_76 {offsets = [88, 0], sizes = [8, 512], strides = [1, 1]} : vector<128x512xf32> to vector<8x512xf32>
      %add3A_99 = arith.addf %add3A_97, %slice3A_98 : vector<8x512xf32>
      %slice3A_100 = vector.extract_strided_slice %add3A_76 {offsets = [96, 0], sizes = [8, 512], strides = [1, 1]} : vector<128x512xf32> to vector<8x512xf32>
      %add3A_101 = arith.addf %add3A_99, %slice3A_100 : vector<8x512xf32>
      %slice3A_102 = vector.extract_strided_slice %add3A_76 {offsets = [104, 0], sizes = [8, 512], strides = [1, 1]} : vector<128x512xf32> to vector<8x512xf32>
      %add3A_103 = arith.addf %add3A_101, %slice3A_102 : vector<8x512xf32>
      %slice3A_104 = vector.extract_strided_slice %add3A_76 {offsets = [112, 0], sizes = [8, 512], strides = [1, 1]} : vector<128x512xf32> to vector<8x512xf32>
      %add3A_105 = arith.addf %add3A_103, %slice3A_104 : vector<8x512xf32>
      %slice3A_106 = vector.extract_strided_slice %add3A_76 {offsets = [120, 0], sizes = [8, 512], strides = [1, 1]} : vector<128x512xf32> to vector<8x512xf32>
      %add3A_107 = arith.addf %add3A_105, %slice3A_106 : vector<8x512xf32>
      %slice3A_108 = vector.extract_strided_slice %add3A_107 {offsets = [0, 0], sizes = [4, 512], strides = [1, 1]} : vector<8x512xf32> to vector<4x512xf32>
      %slice3A_109 = vector.extract_strided_slice %add3A_107 {offsets = [4, 0], sizes = [4, 512], strides = [1, 1]} : vector<8x512xf32> to vector<4x512xf32>
      %add3A_110 = arith.addf %slice3A_108, %slice3A_109 : vector<4x512xf32>
      %slice3A_111 = vector.extract_strided_slice %add3A_110 {offsets = [0, 0], sizes = [2, 512], strides = [1, 1]} : vector<4x512xf32> to vector<2x512xf32>
      %slice3A_112 = vector.extract_strided_slice %add3A_110 {offsets = [2, 0], sizes = [2, 512], strides = [1, 1]} : vector<4x512xf32> to vector<2x512xf32>
      %add3A_113 = arith.addf %slice3A_111, %slice3A_112 : vector<2x512xf32>
      %slice3A_114 = vector.extract_strided_slice %add3A_113 {offsets = [0, 0], sizes = [1, 512], strides = [1, 1]} : vector<2x512xf32> to vector<1x512xf32>
      %slice3A_115 = vector.extract_strided_slice %add3A_113 {offsets = [1, 0], sizes = [1, 512], strides = [1, 1]} : vector<2x512xf32> to vector<1x512xf32>
      %add3A_116 = arith.addf %slice3A_114, %slice3A_115 : vector<1x512xf32>
      %reshape3A = vector.shape_cast %add3A_116 : vector<1x512xf32> to vector<512x1xf32>
      %swap3A_117 = arith.constant 0 : index
      %swap3A_118 = arith.constant 0 : index
      %swap3A_119 = vector.load %arg14[%swap3A_117, %swap3A_118] : memref<512x1xf32, #tpu.memory_space<vmem>>, vector<512x1xf32>
      tpu.vector_store %arg14[%swap3A_117, %swap3A_118], %reshape3A {strides = array<i32>} : memref<512x1xf32, #tpu.memory_space<vmem>>, vector<512x1xf32>,
      %broadcast_in_dim3A_120 = arith.constant 0x7F800000 : f32
      %broadcast_in_dim3A_121 = vector.broadcast %broadcast_in_dim3A_120 : f32 to vector<512x1xf32>
      %swap3A_122 = arith.constant 0 : index
      %swap3A_123 = arith.constant 0 : index
      %swap3A_124 = vector.load %arg15[%swap3A_122, %swap3A_123] : memref<512x1xf32, #tpu.memory_space<vmem>>, vector<512x1xf32>
      tpu.vector_store %arg15[%swap3A_122, %swap3A_123], %broadcast_in_dim3A_121 {strides = array<i32>} : memref<512x1xf32, #tpu.memory_space<vmem>>, vector<512x1xf32>,
      %broadcast_in_dim3A_125 = arith.constant 0 : i32
      %broadcast_in_dim3A_126 = vector.broadcast %broadcast_in_dim3A_125 : i32 to vector<512x1xi32>
      %swap3A_127 = arith.constant 0 : index
      %swap3A_128 = arith.constant 0 : index
      %swap3A_129 = vector.load %arg16[%swap3A_127, %swap3A_128] : memref<512x1xi32, #tpu.memory_space<vmem>>, vector<512x1xi32>
      tpu.vector_store %arg16[%swap3A_127, %swap3A_128], %broadcast_in_dim3A_126 {strides = array<i32>} : memref<512x1xi32, #tpu.memory_space<vmem>>, vector<512x1xi32>,
    } else {
    }
    %get3A = arith.constant 0 : index
    %get3A_2 = arith.constant 0 : index
    %get3A_3 = vector.load %arg13[%get3A, %get3A_2] : memref<512x256xbf16, #tpu.memory_space<vmem>>, vector<512x256xbf16>
    %get3A_4 = arith.constant 0 : index
    %get3A_5 = arith.constant 0 : index
    %get3A_6 = vector.load %arg5[%get3A_4, %get3A_5] : memref<256x8192xbf16, #tpu.memory_space<vmem>>, vector<256x8192xbf16>
    %dot_general3A = arith.constant dense<0.000000e+00> : vector<512x8192xf32>
    %dot_general3A_7 = tpu.matmul %get3A_3, %get3A_6, %dot_general3A {dimension_numbers = #tpu.dot_dimension_numbers<[1], [0], [0], [1], [0, 0, 1, 1], [], []>, transpose_lhs_hint = false} : vector<512x256xbf16>, vector<256x8192xbf16>, vector<512x8192xf32> -> vector<512x8192xf32>
    %get3A_8 = arith.constant 0 : index
    %get3A_9 = arith.constant 0 : index
    %get3A_10 = vector.load %arg14[%get3A_8, %get3A_9] : memref<512x1xf32, #tpu.memory_space<vmem>>, vector<512x1xf32>
    %get3A_11 = arith.constant 0 : index
    %get3A_12 = arith.constant 0 : index
    %get3A_13 = vector.load %arg6[%get3A_11, %get3A_12] : memref<1x8192xf32, #tpu.memory_space<vmem>>, vector<1x8192xf32>
    %add3A = vector.broadcast %get3A_10 : vector<512x1xf32> to vector<512x8192xf32>
    %add3A_14 = vector.broadcast %get3A_13 : vector<1x8192xf32> to vector<512x8192xf32>
    %add3A_15 = arith.addf %add3A, %add3A_14 : vector<512x8192xf32>
    %mul3A = arith.constant 2.000000e+00 : f32
    %mul3A_16 = vector.broadcast %mul3A : f32 to vector<512x8192xf32>
    %mul3A_17 = arith.mulf %mul3A_16, %dot_general3A_7 : vector<512x8192xf32>
    %sub3A = arith.subf %add3A_15, %mul3A_17 : vector<512x8192xf32>
    %reduce_min3A = arith.constant dense<0x7F800000> : vector<512xf32>
    %reduce_min3A_18 = vector.multi_reduction <minimumf>, %sub3A, %reduce_min3A [1] : vector<512x8192xf32> to vector<512xf32>
    %broadcast_in_dim3A = vector.shape_cast %reduce_min3A_18 : vector<512xf32> to vector<512x1xf32>
    %iota3A = tpu.iota {dimensions = array<i32: 1>} : vector<512x8192xi32>
    %eq3A_19 = vector.broadcast %broadcast_in_dim3A : vector<512x1xf32> to vector<512x8192xf32>
    %eq3A_20 = arith.cmpf oeq, %sub3A, %eq3A_19 : vector<512x8192xf32>
    %jit3A = arith.constant 1073741824 : i32
    %broadcast_in_dim3A_21 = vector.broadcast %jit3A : i32 to vector<512x8192xi32>
    %select_n3A = arith.select %eq3A_20, %iota3A, %broadcast_in_dim3A_21 : vector<512x8192xi1>, vector<512x8192xi32>
    %reduce_min3A_22 = arith.constant dense<2147483647> : vector<512xi32>
    %reduce_min3A_23 = vector.multi_reduction <minsi>, %select_n3A, %reduce_min3A_22 [1] : vector<512x8192xi32> to vector<512xi32>
    %broadcast_in_dim3A_24 = vector.shape_cast %reduce_min3A_23 : vector<512xi32> to vector<512x1xi32>
    %mul3A_25 = arith.constant 8192 : i32
    %mul3A_26 = arith.muli %arg1, %mul3A_25 : i32
    %add3A_27 = vector.broadcast %mul3A_26 : i32 to vector<512x1xi32>
    %add3A_28 = arith.addi %broadcast_in_dim3A_24, %add3A_27 : vector<512x1xi32>
    %get3A_29 = arith.constant 0 : index
    %get3A_30 = arith.constant 0 : index
    %get3A_31 = vector.load %arg15[%get3A_29, %get3A_30] : memref<512x1xf32, #tpu.memory_space<vmem>>, vector<512x1xf32>
    %lt3A = arith.cmpf olt, %broadcast_in_dim3A, %get3A_31 : vector<512x1xf32>
    %get3A_32 = arith.constant 0 : index
    %get3A_33 = arith.constant 0 : index
    %get3A_34 = vector.load %arg15[%get3A_32, %get3A_33] : memref<512x1xf32, #tpu.memory_space<vmem>>, vector<512x1xf32>
    %select_n3A_35 = arith.select %lt3A, %broadcast_in_dim3A, %get3A_34 : vector<512x1xi1>, vector<512x1xf32>
    %swap3A = arith.constant 0 : index
    %swap3A_36 = arith.constant 0 : index
    %swap3A_37 = vector.load %arg15[%swap3A, %swap3A_36] : memref<512x1xf32, #tpu.memory_space<vmem>>, vector<512x1xf32>
    tpu.vector_store %arg15[%swap3A, %swap3A_36], %select_n3A_35 {strides = array<i32>} : memref<512x1xf32, #tpu.memory_space<vmem>>, vector<512x1xf32>,
    %get3A_38 = arith.constant 0 : index
    %get3A_39 = arith.constant 0 : index
    %get3A_40 = vector.load %arg16[%get3A_38, %get3A_39] : memref<512x1xi32, #tpu.memory_space<vmem>>, vector<512x1xi32>
    %select_n3A_41 = arith.select %lt3A, %add3A_28, %get3A_40 : vector<512x1xi1>, vector<512x1xi32>
    %swap3A_42 = arith.constant 0 : index
    %swap3A_43 = arith.constant 0 : index
    %swap3A_44 = vector.load %arg16[%swap3A_42, %swap3A_43] : memref<512x1xi32, #tpu.memory_space<vmem>>, vector<512x1xi32>
    tpu.vector_store %arg16[%swap3A_42, %swap3A_43], %select_n3A_41 {strides = array<i32>} : memref<512x1xi32, #tpu.memory_space<vmem>>, vector<512x1xi32>,
    %eq3A_45 = arith.constant 0 : i32
    %eq3A_46 = arith.cmpi eq, %arg1, %eq3A_45 : i32
    %convert_element_type3A_47 = arith.extui %eq3A_46 : i1 to i32
    %cond3A_48 = arith.constant 0 : i32
    %cond3A_49 = arith.cmpi ne, %convert_element_type3A_47, %cond3A_48 : i32
    scf.if %cond3A_49 {
      %get3A_50 = arith.constant 0 : index
      %get3A_51 = arith.constant 0 : index
      %get3A_52 = vector.load %arg16[%get3A_50, %get3A_51] : memref<512x1xi32, #tpu.memory_space<vmem>>, vector<512x1xi32>
      %swap3A_53 = arith.constant 0 : index
      %swap3A_54 = arith.constant 0 : index
      %swap3A_55 = vector.load %arg9[%swap3A_53, %swap3A_54] : memref<512x1xi32, #tpu.memory_space<vmem>>, vector<512x1xi32>
      tpu.vector_store %arg9[%swap3A_53, %swap3A_54], %get3A_52 {strides = array<i32>} : memref<512x1xi32, #tpu.memory_space<vmem>>, vector<512x1xi32>,
      %get3A_56 = arith.constant 0 : index
      %get3A_57 = arith.constant 0 : index
      %get3A_58 = vector.load %arg15[%get3A_56, %get3A_57] : memref<512x1xf32, #tpu.memory_space<vmem>>, vector<512x1xf32>
      %swap3A_59 = arith.constant 0 : index
      %swap3A_60 = arith.constant 0 : index
      %swap3A_61 = vector.load %arg11[%swap3A_59, %swap3A_60] : memref<512x1xf32, #tpu.memory_space<vmem>>, vector<512x1xf32>
      tpu.vector_store %arg11[%swap3A_59, %swap3A_60], %get3A_58 {strides = array<i32>} : memref<512x1xf32, #tpu.memory_space<vmem>>, vector<512x1xf32>,
      %get3A_62 = arith.constant 0 : index
      %get3A_63 = arith.constant 0 : index
      %get3A_64 = vector.load %arg7[%get3A_62, %get3A_63] : memref<512x1xf32, #tpu.memory_space<vmem>>, vector<512x1xf32>
      %mul3A_65 = arith.constant 5.000000e-01 : f32
      %mul3A_66 = vector.broadcast %mul3A_65 : f32 to vector<512x1xf32>
      %mul3A_67 = arith.mulf %get3A_64, %mul3A_66 : vector<512x1xf32>
      %round3A = math.roundeven %mul3A_67 : vector<512x1xf32>
      %convert_element_type3A_68 = arith.fptosi %round3A : vector<512x1xf32> to vector<512x1xi32>
      %add3A_69 = arith.addi %get3A_52, %convert_element_type3A_68 : vector<512x1xi32>
      %jit3A_70 = arith.constant 0 : i32
      %jit3A_71 = arith.constant 8191 : i32
      %max3A = vector.broadcast %jit3A_70 : i32 to vector<512x1xi32>
      %max3A_72 = arith.maxsi %max3A, %add3A_69 : vector<512x1xi32>
      %min3A = vector.broadcast %jit3A_71 : i32 to vector<512x1xi32>
      %min3A_73 = arith.minsi %min3A, %max3A_72 : vector<512x1xi32>
      %swap3A_74 = arith.constant 0 : index
      %swap3A_75 = arith.constant 0 : index
      %swap3A_76 = vector.load %arg10[%swap3A_74, %swap3A_75] : memref<512x1xi32, #tpu.memory_space<vmem>>, vector<512x1xi32>
      tpu.vector_store %arg10[%swap3A_74, %swap3A_75], %min3A_73 {strides = array<i32>} : memref<512x1xi32, #tpu.memory_space<vmem>>, vector<512x1xi32>,
    } else {
    }
    return
  }
  func.func @transform_0(%arg0: i32, %arg1: i32) -> (i32, i32) {
    %c0_i32 = arith.constant 0 : i32
    %c0_i32_0 = arith.constant 0 : i32
    return %arg0, %c0_i32 : i32, i32
  }
  func.func @transform_1(%arg0: i32, %arg1: i32) -> (i32, i32) {
    %c0_i32 = arith.constant 0 : i32
    %c0_i32_0 = arith.constant 0 : i32
    %c0_i32_1 = arith.constant 0 : i32
    return %c0_i32, %c0_i32_0 : i32, i32
  }
  func.func @transform_2(%arg0: i32, %arg1: i32) -> (i32, i32) {
    %c0_i32 = arith.constant 0 : i32
    %c0_i32_0 = arith.constant 0 : i32
    %c0_i32_1 = arith.constant 0 : i32
    return %c0_i32, %c0_i32_0 : i32, i32
  }
  func.func @transform_3(%arg0: i32, %arg1: i32) -> (i32, i32) {
    %c0_i32 = arith.constant 0 : i32
    %c0_i32_0 = arith.constant 0 : i32
    return %c0_i32, %arg1 : i32, i32
  }
  func.func @transform_4(%arg0: i32, %arg1: i32) -> (i32, i32) {
    %c0_i32 = arith.constant 0 : i32
    %c0_i32_0 = arith.constant 0 : i32
    return %c0_i32, %arg1 : i32, i32
  }
  func.func @transform_5(%arg0: i32, %arg1: i32) -> (i32, i32) {
    %c0_i32 = arith.constant 0 : i32
    %c0_i32_0 = arith.constant 0 : i32
    return %arg0, %c0_i32 : i32, i32
  }
  func.func @transform_6(%arg0: i32, %arg1: i32) -> (i32, i32) {
    %c0_i32 = arith.constant 0 : i32
    %c0_i32_0 = arith.constant 0 : i32
    return %arg0, %c0_i32 : i32, i32
  }
  func.func @transform_7(%arg0: i32, %arg1: i32) -> (i32, i32) {
    %c0_i32 = arith.constant 0 : i32
    %c0_i32_0 = arith.constant 0 : i32
    return %arg0, %c0_i32 : i32, i32
  }
  func.func @transform_8(%arg0: i32, %arg1: i32) -> (i32, i32) {
    %c0_i32 = arith.constant 0 : i32
    %c0_i32_0 = arith.constant 0 : i32
    return %arg0, %c0_i32 : i32, i32
  }
  func.func @transform_9(%arg0: i32, %arg1: i32) -> (i32, i32) {
    %c0_i32 = arith.constant 0 : i32
    %c0_i32_0 = arith.constant 0 : i32
    return %arg0, %c0_i32 : i32, i32
  }
}

module attributes {stable_mosaic.version = 14 : i64} {
  func.func @_out_body(%arg0: i32, %arg1: memref<512x256xf32, #tpu.memory_space<vmem>>, %arg2: memref<512x256xf32, #tpu.memory_space<vmem>>, %arg3: memref<512x256xf32, #tpu.memory_space<vmem>>, %arg4: memref<256x256xbf16, #tpu.memory_space<vmem>>, %arg5: memref<1x256xf32, #tpu.memory_space<vmem>>, %arg6: memref<512x1xf32, #tpu.memory_space<vmem>>, %arg7: memref<512x256xf32, #tpu.memory_space<vmem>>, %arg8: memref<1x1x128xf32, #tpu.memory_space<vmem>>, %arg9: memref<1x1x128xf32, #tpu.memory_space<vmem>>, %arg10: memref<1x1x128xf32, #tpu.memory_space<vmem>>) attributes {dimension_semantics = [#tpu.dimension_semantics<parallel>], iteration_bounds = array<i64: 18>, scalar_prefetch = 0 : i64, scratch_operands = 0 : i64, tpu.core_type = #tpu.core_type<tc>, window_params = [{transform_indices = @transform_0, window_bounds = array<i64: 512, 256>}, {transform_indices = @transform_1, window_bounds = array<i64: 512, 256>}, {transform_indices = @transform_2, window_bounds = array<i64: 512, 256>}, {pipeline_mode = #tpu.pipeline_mode<synchronous>, transform_indices = @transform_3, window_bounds = array<i64: 256, 256>}, {pipeline_mode = #tpu.pipeline_mode<synchronous>, transform_indices = @transform_4, window_bounds = array<i64: 1, 256>}, {transform_indices = @transform_5, window_bounds = array<i64: 512, 1>}, {transform_indices = @transform_6, window_bounds = array<i64: 512, 256>}, {transform_indices = @transform_7, window_bounds = array<i64: 1, 1, 128>}, {transform_indices = @transform_8, window_bounds = array<i64: 1, 1, 128>}, {transform_indices = @transform_9, window_bounds = array<i64: 1, 1, 128>}]} {
    %get3A = arith.constant 0 : index
    %get3A_0 = arith.constant 0 : index
    %get3A_1 = vector.load %arg1[%get3A, %get3A_0] : memref<512x256xf32, #tpu.memory_space<vmem>>, vector<512x256xf32>
    %get3A_2 = arith.constant 0 : index
    %get3A_3 = arith.constant 0 : index
    %get3A_4 = vector.load %arg2[%get3A_2, %get3A_3] : memref<512x256xf32, #tpu.memory_space<vmem>>, vector<512x256xf32>
    %sub3A = arith.subf %get3A_4, %get3A_1 : vector<512x256xf32>
    %add3A = arith.addf %get3A_1, %sub3A : vector<512x256xf32>
    %convert_element_type3A = arith.truncf %add3A : vector<512x256xf32> to vector<512x256xbf16>
    %get3A_5 = arith.constant 0 : index
    %get3A_6 = arith.constant 0 : index
    %get3A_7 = vector.load %arg4[%get3A_5, %get3A_6] : memref<256x256xbf16, #tpu.memory_space<vmem>>, vector<256x256xbf16>
    %dot_general3A = arith.constant dense<0.000000e+00> : vector<512x256xf32>
    %dot_general3A_8 = tpu.matmul %convert_element_type3A, %get3A_7, %dot_general3A {dimension_numbers = #tpu.dot_dimension_numbers<[1], [0], [0], [1], [0, 0, 1, 1], [], []>, transpose_lhs_hint = false} : vector<512x256xbf16>, vector<256x256xbf16>, vector<512x256xf32> -> vector<512x256xf32>
    %get3A_9 = arith.constant 0 : index
    %get3A_10 = arith.constant 0 : index
    %get3A_11 = vector.load %arg5[%get3A_9, %get3A_10] : memref<1x256xf32, #tpu.memory_space<vmem>>, vector<1x256xf32>
    %add3A_12 = vector.broadcast %get3A_11 : vector<1x256xf32> to vector<512x256xf32>
    %add3A_13 = arith.addf %dot_general3A_8, %add3A_12 : vector<512x256xf32>
    %swap3A = arith.constant 0 : index
    %swap3A_14 = arith.constant 0 : index
    %swap3A_15 = vector.load %arg7[%swap3A, %swap3A_14] : memref<512x256xf32, #tpu.memory_space<vmem>>, vector<512x256xf32>
    tpu.vector_store %arg7[%swap3A, %swap3A_14], %add3A_13 {strides = array<i32>} : memref<512x256xf32, #tpu.memory_space<vmem>>, vector<512x256xf32>,
    %get3A_16 = arith.constant 0 : index
    %get3A_17 = arith.constant 0 : index
    %get3A_18 = vector.load %arg3[%get3A_16, %get3A_17] : memref<512x256xf32, #tpu.memory_space<vmem>>, vector<512x256xf32>
    %sub3A_19 = arith.subf %add3A_13, %get3A_18 : vector<512x256xf32>
    %sub3A_20 = arith.subf %get3A_4, %get3A_1 : vector<512x256xf32>
    %broadcast_in_dim3A = arith.constant 0.000000e+00 : f32
    %broadcast_in_dim3A_21 = vector.broadcast %broadcast_in_dim3A : f32 to vector<1x1x128xf32>
    %mul3A = arith.mulf %sub3A_19, %sub3A_19 : vector<512x256xf32>
    %reduce_sum3A = arith.constant dense<0.000000e+00> : vector<512xf32>
    %reduce_sum3A_22 = vector.multi_reduction <add>, %mul3A, %reduce_sum3A [1] : vector<512x256xf32> to vector<512xf32>
    %broadcast_in_dim3A_23 = vector.shape_cast %reduce_sum3A_22 : vector<512xf32> to vector<512x1xf32>
    %reduce_sum3A_24 = arith.constant dense<0.000000e+00> : vector<1xf32>
    %reduce_sum3A_25 = vector.multi_reduction <add>, %broadcast_in_dim3A_23, %reduce_sum3A_24 [0] : vector<512x1xf32> to vector<1xf32>
    %broadcast_in_dim3A_26 = vector.shape_cast %reduce_sum3A_25 : vector<1xf32> to vector<1x1xf32>
    %mul3A_27 = arith.mulf %sub3A_20, %sub3A_20 : vector<512x256xf32>
    %reduce_sum3A_28 = arith.constant dense<0.000000e+00> : vector<512xf32>
    %reduce_sum3A_29 = vector.multi_reduction <add>, %mul3A_27, %reduce_sum3A_28 [1] : vector<512x256xf32> to vector<512xf32>
    %broadcast_in_dim3A_30 = vector.shape_cast %reduce_sum3A_29 : vector<512xf32> to vector<512x1xf32>
    %reduce_sum3A_31 = arith.constant dense<0.000000e+00> : vector<1xf32>
    %reduce_sum3A_32 = vector.multi_reduction <add>, %broadcast_in_dim3A_30, %reduce_sum3A_31 [0] : vector<512x1xf32> to vector<1xf32>
    %broadcast_in_dim3A_33 = vector.shape_cast %reduce_sum3A_32 : vector<1xf32> to vector<1x1xf32>
    %get3A_34 = arith.constant 0 : index
    %get3A_35 = arith.constant 0 : index
    %get3A_36 = vector.load %arg6[%get3A_34, %get3A_35] : memref<512x1xf32, #tpu.memory_space<vmem>>, vector<512x1xf32>
    %reduce_sum3A_37 = arith.constant dense<0.000000e+00> : vector<1xf32>
    %reduce_sum3A_38 = vector.multi_reduction <add>, %get3A_36, %reduce_sum3A_37 [0] : vector<512x1xf32> to vector<1xf32>
    %broadcast_in_dim3A_39 = vector.shape_cast %reduce_sum3A_38 : vector<1xf32> to vector<1x1xf32>
    %reshape3A = vector.shape_cast %broadcast_in_dim3A_26 : vector<1x1xf32> to vector<1x1x1xf32>
    %add3A_40 = vector.broadcast %reshape3A : vector<1x1x1xf32> to vector<1x1x128xf32>
    %add3A_41 = arith.addf %broadcast_in_dim3A_21, %add3A_40 : vector<1x1x128xf32>
    %swap3A_42 = arith.constant 0 : index
    %swap3A_43 = arith.constant 0 : index
    %swap3A_44 = arith.constant 0 : index
    %swap3A_45 = vector.load %arg8[%swap3A_42, %swap3A_43, %swap3A_44] : memref<1x1x128xf32, #tpu.memory_space<vmem>>, vector<1x1x128xf32>
    tpu.vector_store %arg8[%swap3A_42, %swap3A_43, %swap3A_44], %add3A_41 {strides = array<i32>} : memref<1x1x128xf32, #tpu.memory_space<vmem>>, vector<1x1x128xf32>,
    %reshape3A_46 = vector.shape_cast %broadcast_in_dim3A_33 : vector<1x1xf32> to vector<1x1x1xf32>
    %add3A_47 = vector.broadcast %reshape3A_46 : vector<1x1x1xf32> to vector<1x1x128xf32>
    %add3A_48 = arith.addf %broadcast_in_dim3A_21, %add3A_47 : vector<1x1x128xf32>
    %swap3A_49 = arith.constant 0 : index
    %swap3A_50 = arith.constant 0 : index
    %swap3A_51 = arith.constant 0 : index
    %swap3A_52 = vector.load %arg10[%swap3A_49, %swap3A_50, %swap3A_51] : memref<1x1x128xf32, #tpu.memory_space<vmem>>, vector<1x1x128xf32>
    tpu.vector_store %arg10[%swap3A_49, %swap3A_50, %swap3A_51], %add3A_48 {strides = array<i32>} : memref<1x1x128xf32, #tpu.memory_space<vmem>>, vector<1x1x128xf32>,
    %reshape3A_53 = vector.shape_cast %broadcast_in_dim3A_39 : vector<1x1xf32> to vector<1x1x1xf32>
    %add3A_54 = vector.broadcast %reshape3A_53 : vector<1x1x1xf32> to vector<1x1x128xf32>
    %add3A_55 = arith.addf %broadcast_in_dim3A_21, %add3A_54 : vector<1x1x128xf32>
    %swap3A_56 = arith.constant 0 : index
    %swap3A_57 = arith.constant 0 : index
    %swap3A_58 = arith.constant 0 : index
    %swap3A_59 = vector.load %arg9[%swap3A_56, %swap3A_57, %swap3A_58] : memref<1x1x128xf32, #tpu.memory_space<vmem>>, vector<1x1x128xf32>
    tpu.vector_store %arg9[%swap3A_56, %swap3A_57, %swap3A_58], %add3A_55 {strides = array<i32>} : memref<1x1x128xf32, #tpu.memory_space<vmem>>, vector<1x1x128xf32>,
    return
  }
  func.func @transform_0(%arg0: i32) -> (i32, i32) {
    %c0_i32 = arith.constant 0 : i32
    %c0_i32_0 = arith.constant 0 : i32
    return %arg0, %c0_i32 : i32, i32
  }
  func.func @transform_1(%arg0: i32) -> (i32, i32) {
    %c0_i32 = arith.constant 0 : i32
    %c0_i32_0 = arith.constant 0 : i32
    return %arg0, %c0_i32 : i32, i32
  }
  func.func @transform_2(%arg0: i32) -> (i32, i32) {
    %c0_i32 = arith.constant 0 : i32
    %c0_i32_0 = arith.constant 0 : i32
    return %arg0, %c0_i32 : i32, i32
  }
  func.func @transform_3(%arg0: i32) -> (i32, i32) {
    %c0_i32 = arith.constant 0 : i32
    %c0_i32_0 = arith.constant 0 : i32
    %c0_i32_1 = arith.constant 0 : i32
    return %c0_i32, %c0_i32_0 : i32, i32
  }
  func.func @transform_4(%arg0: i32) -> (i32, i32) {
    %c0_i32 = arith.constant 0 : i32
    %c0_i32_0 = arith.constant 0 : i32
    %c0_i32_1 = arith.constant 0 : i32
    return %c0_i32, %c0_i32_0 : i32, i32
  }
  func.func @transform_5(%arg0: i32) -> (i32, i32) {
    %c0_i32 = arith.constant 0 : i32
    %c0_i32_0 = arith.constant 0 : i32
    return %arg0, %c0_i32 : i32, i32
  }
  func.func @transform_6(%arg0: i32) -> (i32, i32) {
    %c0_i32 = arith.constant 0 : i32
    %c0_i32_0 = arith.constant 0 : i32
    return %arg0, %c0_i32 : i32, i32
  }
  func.func @transform_7(%arg0: i32) -> (i32, i32, i32) {
    %c0_i32 = arith.constant 0 : i32
    %c0_i32_0 = arith.constant 0 : i32
    %c0_i32_1 = arith.constant 0 : i32
    return %arg0, %c0_i32, %c0_i32_0 : i32, i32, i32
  }
  func.func @transform_8(%arg0: i32) -> (i32, i32, i32) {
    %c0_i32 = arith.constant 0 : i32
    %c0_i32_0 = arith.constant 0 : i32
    %c0_i32_1 = arith.constant 0 : i32
    return %arg0, %c0_i32, %c0_i32_0 : i32, i32, i32
  }
  func.func @transform_9(%arg0: i32) -> (i32, i32, i32) {
    %c0_i32 = arith.constant 0 : i32
    %c0_i32_0 = arith.constant 0 : i32
    %c0_i32_1 = arith.constant 0 : i32
    return %arg0, %c0_i32, %c0_i32_0 : i32, i32, i32
  }
}

module attributes {stable_mosaic.version = 14 : i64} {
  func.func @_loss_body(%arg0: memref<18x1x128xf32, #tpu.memory_space<vmem>>, %arg1: memref<18x1x128xf32, #tpu.memory_space<vmem>>, %arg2: memref<18x1x128xf32, #tpu.memory_space<vmem>>, %arg3: memref<1x1x128xf32, #tpu.memory_space<vmem>>) attributes {dimension_semantics = [], scalar_prefetch = 0 : i64, scratch_operands = 0 : i64, tpu.core_type = #tpu.core_type<tc>} {
    %get3A = arith.constant 0 : index
    %get3A_0 = arith.constant 0 : index
    %get3A_1 = arith.constant 0 : index
    %get3A_2 = vector.load %arg0[%get3A, %get3A_0, %get3A_1] : memref<18x1x128xf32, #tpu.memory_space<vmem>>, vector<18x1x128xf32>
    %reduce_sum3A = arith.constant dense<0.000000e+00> : vector<1x128xf32>
    %reduce_sum3A_3 = vector.multi_reduction <add>, %get3A_2, %reduce_sum3A [0] : vector<18x1x128xf32> to vector<1x128xf32>
    %broadcast_in_dim3A = vector.shape_cast %reduce_sum3A_3 : vector<1x128xf32> to vector<1x1x128xf32>
    %div3A = arith.constant 0x4A100000 : f32
    %div3A_4 = vector.broadcast %div3A : f32 to vector<1x1x128xf32>
    %div3A_5 = arith.divf %broadcast_in_dim3A, %div3A_4 : vector<1x1x128xf32>
    %get3A_6 = arith.constant 0 : index
    %get3A_7 = arith.constant 0 : index
    %get3A_8 = arith.constant 0 : index
    %get3A_9 = vector.load %arg1[%get3A_6, %get3A_7, %get3A_8] : memref<18x1x128xf32, #tpu.memory_space<vmem>>, vector<18x1x128xf32>
    %reduce_sum3A_10 = arith.constant dense<0.000000e+00> : vector<1x128xf32>
    %reduce_sum3A_11 = vector.multi_reduction <add>, %get3A_9, %reduce_sum3A_10 [0] : vector<18x1x128xf32> to vector<1x128xf32>
    %broadcast_in_dim3A_12 = vector.shape_cast %reduce_sum3A_11 : vector<1x128xf32> to vector<1x1x128xf32>
    %div3A_13 = arith.constant 0x4A100000 : f32
    %div3A_14 = vector.broadcast %div3A_13 : f32 to vector<1x1x128xf32>
    %div3A_15 = arith.divf %broadcast_in_dim3A_12, %div3A_14 : vector<1x1x128xf32>
    %mul3A = arith.constant 2.500000e-01 : f32
    %mul3A_16 = vector.broadcast %mul3A : f32 to vector<1x1x128xf32>
    %mul3A_17 = arith.mulf %mul3A_16, %div3A_15 : vector<1x1x128xf32>
    %get3A_18 = arith.constant 0 : index
    %get3A_19 = arith.constant 0 : index
    %get3A_20 = arith.constant 0 : index
    %get3A_21 = vector.load %arg2[%get3A_18, %get3A_19, %get3A_20] : memref<18x1x128xf32, #tpu.memory_space<vmem>>, vector<18x1x128xf32>
    %reduce_sum3A_22 = arith.constant dense<0.000000e+00> : vector<1x128xf32>
    %reduce_sum3A_23 = vector.multi_reduction <add>, %get3A_21, %reduce_sum3A_22 [0] : vector<18x1x128xf32> to vector<1x128xf32>
    %broadcast_in_dim3A_24 = vector.shape_cast %reduce_sum3A_23 : vector<1x128xf32> to vector<1x1x128xf32>
    %div3A_25 = arith.constant 0x4A100000 : f32
    %div3A_26 = vector.broadcast %div3A_25 : f32 to vector<1x1x128xf32>
    %div3A_27 = arith.divf %broadcast_in_dim3A_24, %div3A_26 : vector<1x1x128xf32>
    %add3A = arith.addf %div3A_5, %mul3A_17 : vector<1x1x128xf32>
    %add3A_28 = arith.addf %add3A, %div3A_27 : vector<1x1x128xf32>
    %swap3A = arith.constant 0 : index
    %swap3A_29 = arith.constant 0 : index
    %swap3A_30 = arith.constant 0 : index
    %swap3A_31 = vector.load %arg3[%swap3A, %swap3A_29, %swap3A_30] : memref<1x1x128xf32, #tpu.memory_space<vmem>>, vector<1x1x128xf32>
    tpu.vector_store %arg3[%swap3A, %swap3A_29, %swap3A_30], %add3A_28 {strides = array<i32>} : memref<1x1x128xf32, #tpu.memory_space<vmem>>, vector<1x1x128xf32>,
    return
  }
}

</mosaic_0001>

<sc_bundles>
// kernel: kernel.7.cloned.1.call-start
scs
__scs_entry_jumppad:
0x0: {  	(pc) =	sbr.rel $0x88, $3  }
0x1: {  	(tag) =	ssettag $0x0;
	lr =	simm.s32 $0x1  }
0x2: {  	[smem:$0x3F99] =	sst lr;
	_ =	strace $0xD0000000  }
0x3: {  	_ = 	snop  }
0x4: {  	_ = 	snop  }
0x5: {  	_ = 	snop  }
0x6: {  	_ = 	snop  }
0x7: {  	_ = 	snop  }
__scs_overlays_trampoline_lowered:
0x8: {  	[smem:$0x3FA8] =	sst s0  }
0x9: {  	[smem:$0x3FA9] =	sst s1  }
0xa: {  	[smem:$0x3FAA] =	sst s2  }
0xb: {  	[smem:$0x3FAB] =	sst s3  }
0xc: {  	[smem:$0x3FAC] =	sst s4  }
0xd: {  	[smem:$0x3FAD] =	sst s5  }
0xe: {  	[smem:$0x3FAE] =	sst s6  }
0xf: {  	[smem:$0x3FAF] =	sst s7  }
0x10: {  	[smem:$0x3FB0] =	sst s8  }
0x11: {  	[smem:$0x3FB1] =	sst s9;
	s0 =	simm.s32 @!p0 $0x0  }
0x12: {  	s1 =	sld [smem:$0x3F97];
	s0 =	simm.s32 @p0 $0x1  }
0x13: {  	[smem:$0x3FB2] =	sst s0;
	s0 =	simm.s32 @!p1 $0x0  }
0x14: {  	s2 =	sld [smem:$0x3F96];
	s0 =	simm.s32 @p1 $0x1  }
0x15: {  	[smem:$0x3FB3] =	sst s0;
	s0 =	simm.s32 @!p2 $0x0  }
0x16: {  	s3 =	sld [smem:$0x3FDB];
	s0 =	simm.s32 @p2 $0x1  }
0x17: {  	s4 =	simm.s32 $0x1BF5;
	[smem:$0x3FB5] =	sst s0  }
0x18: {  	s0 =	sld [smem:$0x3F98];
	_ =	swait.ge [sflag:s4], $0x0  }
0x19: {  	s7 =	sld [smem:$0x3F99]  }
0x1a: {  	s8 =	sadd.s32 $0xFFFFE003, lr  }
0x1b: {  	s9 =	sadd.s32 $0xFFFFFEF7, lr;
	s5 =	simm.s32 $0xFFFFFFFF;
	p2 =	slt.u32 s8, $0xFFFFF086  }
0x1c: {  	p1 =	slt.u32 s9, $0xF7A;
	s5 =	simm.s32 @!p2 $0x0  }
0x1d: {  	s5 =	simm.s32 @p1 $0x1;
	p0 =	seq.s32 s7, s2  }
0x1e: {  	s7 =	smul.u32 @!p0 $0xF7A, s2;
	p2 =	seq.s32 @!p0 s5, $0x0  }
0x1f: {  	s9 =	smul.u32 $0xF7A, s1;
	s8 =	simm.s32 @!p0 $0x1BF5;
	p2 =	por !p2, p0  }
0x20: {  	[sflag:s8] =	ssyncset.s32 @!p0 $0xFFFFF086;
	s6 =	sadd.s32 @!p0 s3, s7;
	s7 =	simm.s32 @!p0 $0x108  }
0x21: {  	s3 =	sadd.s32 s3, s9;
	s6 =	sadd.s32 @!p0 $0x88, s6;
	s7 =	simm.s32 @p2 $0x1082  }
0x22: {  	[simem:s7], [sflag:s8] =	dma.local @!p0 [hbm:s6], $0xF7A  }
0x23: {  	s9 =	sor.u32 $0xD0000000, s2;
	s6 =	simm.s32 $0x108;
	_ =	swait.ge @!p0 [sflag:s8], $0x0  }
0x24: {  	s3 =	sadd.s32 $0x88, s3;
	s6 =	simm.s32 @!p1 $0x1082;
	[sflag:s4] =	ssyncset.s32 $0xFFFFF086  }
0x25: {  	[simem:s6], [sflag:s4] =	dma.local [hbm:s3], $0xF7A  }
0x26: {  	[smem:$0x3F99] =	sst s1;
	(tag) =	ssettag s2;
	_ =	strace s9  }
0x27: {  	s1 =	sld [smem:$0x3FA9]  }
0x28: {  	s2 =	sld [smem:$0x3FAA]  }
0x29: {  	s4 =	sld [smem:$0x3FAC]  }
0x2a: {  	p0 =	seq.s32 s5, $0x0;
	s5 =	sld [smem:$0x3FAD]  }
0x2b: {  	s6 =	sld [smem:$0x3FAE]  }
0x2c: {  	s7 =	sld [smem:$0x3FAF]  }
0x2d: {  	s3 =	simm.s32 $0x108;
	s8 =	sld [smem:$0x3FB0]  }
0x2e: {  	s3 =	simm.s32 @!p0 $0x1082;
	s9 =	sld [smem:$0x3FB1]  }
0x2f: {  	lr =	sadd.s32 s0, s3;
	s0 =	sld [smem:$0x3FA8]  }
0x30: {  	s3 =	sld [smem:$0x3FAB]  }
0x31: {  	[smem:$0x3FB4] =	sst s10  }
0x32: {  	s10 =	sld [smem:$0x3FB2];
	_ =	sdelay $0x3  }
0x33: {  	p0 =	seq.s32 s10, $0x1;
	s10 =	sld [smem:$0x3FB4];
	_ =	sdelay $0x3  }
0x34: {  	[smem:$0x3FB4] =	sst s10  }
0x35: {  	s10 =	sld [smem:$0x3FB3];
	_ =	sdelay $0x3  }
0x36: {  	p1 =	seq.s32 s10, $0x1;
	s10 =	sld [smem:$0x3FB4];
	_ =	sdelay $0x3  }
0x37: {  	[smem:$0x3FB4] =	sst s10  }
0x38: {  	s10 =	sld [smem:$0x3FB5]  }
0x39: {  	_ = 	snop;
	(pc) =	sbr.ind lr, $3  }
0x3a: {  	_ = 	snop  }
0x3b: {  	_ = 	snop  }
0x3c: {  	p2 =	seq.s32 s10, $0x1;
	s10 =	sld [smem:$0x3FB4]  }
0x3d: {  	_ =	shalt  }
0x3e: {  	_ =	shalt  }
0x3f: {  	_ =	shalt  }
0x40: {  	_ =	shalt  }
0x41: {  	_ =	shalt  }
0x42: {  	_ =	shalt  }
0x43: {  	_ =	shalt  }
0x44: {  	_ =	shalt  }
0x45: {  	_ =	shalt  }
0x46: {  	_ =	shalt  }
0x47: {  	_ =	shalt  }
0x48: {  	_ =	shalt  }
0x49: {  	_ =	shalt  }
0x4a: {  	_ =	shalt  }
0x4b: {  	_ =	shalt  }
0x4c: {  	_ =	shalt  }
0x4d: {  	_ =	shalt  }
0x4e: {  	_ =	shalt  }
0x4f: {  	_ =	shalt  }
0x50: {  	_ =	shalt  }
0x51: {  	_ =	shalt  }
0x52: {  	_ =	shalt  }
0x53: {  	_ =	shalt  }
0x54: {  	_ =	shalt  }
0x55: {  	_ =	shalt  }
0x56: {  	_ =	shalt  }
0x57: {  	_ =	shalt  }
0x58: {  	_ =	shalt  }
0x59: {  	_ =	shalt  }
0x5a: {  	_ =	shalt  }
0x5b: {  	_ =	shalt  }
0x5c: {  	_ =	shalt  }
0x5d: {  	_ =	shalt  }
0x5e: {  	_ =	shalt  }
0x5f: {  	_ =	shalt  }
0x60: {  	_ =	shalt  }
0x61: {  	_ =	shalt  }
0x62: {  	_ =	shalt  }
0x63: {  	_ =	shalt  }
0x64: {  	_ =	shalt  }
0x65: {  	_ =	shalt  }
0x66: {  	_ =	shalt  }
0x67: {  	_ =	shalt  }
0x68: {  	_ =	shalt  }
0x69: {  	_ =	shalt  }
0x6a: {  	_ =	shalt  }
0x6b: {  	_ =	shalt  }
0x6c: {  	_ =	shalt  }
0x6d: {  	_ =	shalt  }
0x6e: {  	_ =	shalt  }
0x6f: {  	_ =	shalt  }
0x70: {  	_ =	shalt  }
0x71: {  	_ =	shalt  }
0x72: {  	_ =	shalt  }
0x73: {  	_ =	shalt  }
0x74: {  	_ =	shalt  }
0x75: {  	_ =	shalt  }
0x76: {  	_ =	shalt  }
0x77: {  	_ =	shalt  }
0x78: {  	_ =	shalt  }
0x79: {  	_ =	shalt  }
0x7a: {  	_ =	shalt  }
0x7b: {  	_ =	shalt  }
0x7c: {  	_ =	shalt  }
0x7d: {  	_ =	shalt  }
0x7e: {  	_ =	shalt  }
0x7f: {  	_ =	shalt  }
0x80: {  	_ =	shalt  }
0x81: {  	_ =	shalt  }
0x82: {  	_ =	shalt  }
0x83: {  	_ =	shalt  }
0x84: {  	_ =	shalt  }
0x85: {  	_ =	shalt  }
0x86: {  	_ =	shalt  }
0x87: {  	_ =	shalt  }
.Lfunc_end0:
.L_simem_size_0:
called_computation_lowered:
.L_overlay_start_0:
0x88: {  	s2 =	sld [smem:$0x3FD9]  }
0x89: {  	s3 =	sld [smem:$0x3FFE];
	_ =	sdelay $0x1  }
0x8a: {  	s1 =	srdreg.scid  }
0x8b: {  	s0 =	sand.u32 $0x1, s1  }
0x8c: {  	s17 =	sshll.u32 s0, $0xA;
	s2 =	sadd.s32 s3, s2  }
0x8d: {  	s2 =	sadd.s32 s2, s17  }
0x8e: {  	[smem:$0x3FC0] =	sst s2  }
0x8f: {  	_ = 	snop  }
0x90: {  	s2 =	sld [smem:$0x3FC2];
	(tm) =	ssettm $0x1  }
0x91: {  	s18 =	sld [smem:$0x3FFB];
	_ =	sdelay $0x3  }
0x92: {  	_ =	strace s18  }
0x93: {  	s3 =	sld [smem:$0x3FFC];
	_ =	sdelay $0x3  }
0x94: {  	_ =	strace s3  }
0x95: {  	s3 =	sld [smem:$0x3FFD];
	_ =	sdelay $0x3  }
0x96: {  	_ =	strace s3  }
0x97: {  	_ =	strace $0x8FFFFFFF  }
0x98: {  	s19 =	sld [smem:$0x3FDB];
	_ =	sdelay $0x1  }
0x99: {  	s4 =	simm.s32 $_scs_section_size  }
0x9a: {  	s5 =	simm.s32 $_size__tile_overlayer_lowered;
	s6 =	simm.s32 $_tile_overlayer_lowered  }
0x9b: {  	s22 =	simm.s32 $0x1BFF;
	s21 =	sshll.u32 s6, $0x1;
	s3 =	sadd.s32 s4, s19  }
0x9c: {  	s7 =	simm.s32 $0x0;
	s20 =	sshll.u32 s5, $0x1;
	s5 =	sadd.s32 s21, s3  }
0x9d: {  	[timem:s7], [sflag:s22] =	dma.local [hbm:s5], s20  }
0x9e: {  	_ =	swait.ge [sflag:s22], s20  }
0x9f: {  	s4 =	ssub.s32 $0x0, s20;
	[sflag:s22] =	ssyncset.done $0x0  }
0xa0: {  	[sflag:s22] =	ssyncadd.s32 s4;
	_ =	sdelay $0x1  }
0xa1: {  	s23 =	simm.s32 $0x1B8B  }
0xa2: {  	_ =	swait.ge [sflag:s23], $0x1  }
0xa3: {  	[sflag:s23] =	ssyncset.done $0x0  }
0xa4: {  	s25 =	simm.s32 $0x1B8E;
	s24 =	sld [smem:$0x3FFE];
	[sflag:s23] =	ssyncadd.s32 $0xFFFFFFFF  }
0xa5: {  	s26 =	simm.s32 $execute0_lowered;
	[smem:$0x3FD2] =	sst s25  }
0xa6: {  	s5 =	sshll.u32 s26, $0x1;
	_ =	strace $0x80000046;
	[dreg:$0x1] =	wrdreg $0xFFFFFFFF  }
0xa7: {  	s28 =	simm.s32 $_size_execute0_lowered;
	s3 =	sadd.s32 s3, s5;
	[dreg:$0x0] =	wrdreg $0x0  }
0xa8: {  	s5 =	sshll.u32 s28, $0x1;
	[dreg:$0x2] =	wrdreg s3  }
0xa9: {  	[dreg:$0x3] =	wrdreg s5  }
0xaa: {  	[dreg:$0x4] =	wrdreg $0xC0  }
0xab: {  	_ =	task [dreg:s7], $0x5FFFF  }
0xac: {  	[dreg:$0x1] =	wrdreg $0xFFFFFFFF  }
0xad: {  	[dreg:$0x0] =	wrdreg $0x60  }
0xae: {  	[dreg:$0x2] =	wrdreg s2  }
0xaf: {  	[dreg:$0x3] =	wrdreg s24  }
0xb0: {  	[dreg:$0x4] =	wrdreg $0x9  }
0xb1: {  	_ =	task.clear_ibuf [dreg:s7], $0x5FFFF;
	_ =	strace $0x90000046  }
0xb2: {  	s29 =	simm.s32 $0x9;
	_ =	strace $0x80000048  }
0xb3: {  	_ =	swait.ge [sflag:s29], $0x1  }
0xb4: {  	[sflag:s29] =	ssyncadd.s32 $0xFFFFFFFF  }
0xb5: {  	_ =	strace $0x90000048  }
0xb6: {  	_ =	sfence  }
0xb7: {  	s30 =	sld [smem:$0x0];
	_ =	sdelay $0x2  }
0xb8: {  	s31 =	sshll.u32 s1, $0xD;
	s1 =	sshrl.u32 s1, $0x2  }
0xb9: {  	s3 =	sand.u32 $0x4000, s31;
	s1 =	sadd.s32 s1, s30  }
0xba: {  	s0 =	sor.u32 s3, s0;
	s1 =	sshll.u32 s1, $0x11  }
0xbb: {  	s0 =	sor.u32 s1, s0  }
0xbc: {  	s0 =	sadd.s32 $0x8F2B, s0  }
0xbd: {  	[sflag:s0] =	ssyncadd.remote.s32 $0x1  }
0xbe: {  	_ =	sfence.sel $0xFFFF  }
0xbf: {  	[dreg:$0x0] =	wrdreg $0xFFFFFFFF;
	(pc) =	sbr.abs _section_cstart, $3  }
0xc0: {  	[dreg:$0x1] =	wrdreg $0xFFFFFFFF  }
0xc1: {  	_ =	task.clear_ibuf [dreg:s7], $0x2FFFF;
	_ =	strace $0x9FFFFFFF  }
0xc2: {  	(tm) =	ssettm $0x7FFFFFFF  }
0xc3: {  	_ =	shalt  }
tec
execute0_lowered:
.L_overlay_start_1:
0x0: {  	(tag) =	ssettag $0x1  }
0x1: {  	s0 =	srdreg.scid  }
0x2: {  	s0 =	sand.u32 $0x1, s0  }
0x3: {  	s2 =	rddreg [dreg:$0x0];
	s1 =	stileid.u32;
	s3 =	sshll.u32 s0, $0x4  }
0x4: {  	s4 =	rddreg [dreg:$0x1];
	s5 =	sor.u32 s1, s3;
	s3 =	simm.s32 $0x0  }
0x5: {  	s12 =	simm.s32 $0xA00;
	[smem:$0x7FF] =	sst s3  }
0x6: {  	s13 =	simm.s32 $0x1200;
	_ =	strace $0x80000047;
	[dreg:$0x5] =	wrdreg s12  }
0x7: {  	s14 =	simm.s32 $0x1A00;
	s15 =	simm.s32 $0x2200;
	[dreg:$0x6] =	wrdreg s13  }
0x8: {  	s16 =	simm.s32 $0x2A00;
	s17 =	simm.s32 $0x3200;
	[dreg:$0x7] =	wrdreg s14  }
0x9: {  	s18 =	simm.s32 $0x3A00;
	s19 =	simm.s32 $0x4200;
	[dreg:$0x8] =	wrdreg s15  }
0xa: {  	s20 =	simm.s32 $0x4A00;
	s21 =	simm.s32 $0x5200;
	[dreg:$0x9] =	wrdreg s16  }
0xb: {  	s23 =	simm.s32 $0x5A00;
	s24 =	simm.s32 $0x6200;
	[dreg:$0xa] =	wrdreg s17  }
0xc: {  	s25 =	simm.s32 $0x6A00;
	s26 =	simm.s32 $0x7200;
	[dreg:$0xb] =	wrdreg s18  }
0xd: {  	s8 =	simm.s32 $0x8200;
	s9 =	simm.s32 $0x8A00;
	[dreg:$0xc] =	wrdreg s19  }
0xe: {  	s10 =	simm.s32 $0x9200;
	s28 =	simm.s32 $0x11A00;
	[dreg:$0xd] =	wrdreg s20  }
0xf: {  	s29 =	simm.s32 $0x1;
	s30 =	simm.s32 $0x2;
	[dreg:$0xe] =	wrdreg s21  }
0x10: {  	s31 =	simm.s32 $0x3;
	s0 =	ssub.s32 $0x2, s0;
	[dreg:$0xf] =	wrdreg s23  }
0x11: {  	s22 =	sshrl.u32 s0, $0x1;
	s6 =	sshll.u32 s5, $0x6;
	[dreg:$0x10] =	wrdreg s24  }
0x12: {  	s5 =	smul.u32 $0x2400, s5;
	s0 =	ssub.s32 s0, s22;
	[dreg:$0x11] =	wrdreg s25  }
0x13: {  	s22 =	simm.s32 $0xF200;
	s6 =	sadd.s32 s6, s4;
	[dreg:$0x12] =	wrdreg s26  }
0x14: {  	s12 =	simm.s32 $0xA200;
	s13 =	simm.s32 $0xAA00;
	s14 =	simm.s32 $0xB200  }
0x15: {  	s15 =	simm.s32 $0xBA00;
	s16 =	simm.s32 $0xC200;
	s17 =	simm.s32 $0xCA00  }
0x16: {  	s18 =	simm.s32 $0xD200;
	s19 =	simm.s32 $0xDA00;
	s20 =	simm.s32 $0xE200  }
0x17: {  	s21 =	simm.s32 $0xEA00;
	s23 =	simm.s32 $0xFA00;
	s24 =	simm.s32 $0x10200  }
0x18: {  	s25 =	simm.s32 $0x10A00;
	s26 =	simm.s32 $0x11200;
	s4 =	sadd.s32 s5, s4  }
0x19: {  	v2 =	vlaneseq.u32;
	s11 =	sadd.s32 $0x1600, s6;
	s5 =	simm.s32 $0x5;
	s6 =	simm.s32 $0x200  }
0x1a: {  	vm0 =	vmmov $0xffff;
	v1 =	vshrl.u32 v2, $0x3;
	[dreg:$0x3] =	wrdreg s11;
	s4 =	sadd.s32 $0x1E00, s4;
	s11 =	simm.s32 $0x9A00  }
0x1b: {  	v0 =	vand.u32 $0x7, v2;
	v2 =	vor.u32 $0x8, v2;
	v1 =	vmul.u32 $0x8, v1;
	[dreg:$0x4] =	wrdreg s4;
	s4 =	smax.u32 s0, $0x1;
	s0 =	simm.s32 $0x4  }
.LBB2_1:
0x1c: {  	s1 =	rddreg [dreg:$0x3]  }
0x1d: {  	[tilespmem:s3], [sflag:$0x5] =	stream.linear.gather [hbm4b:s1+s3], $0x200, $0x38;
	[tilespmem:$0x12200] =	vst v63  }
0x1e: {  	_ =	swait.ge [sflag:s5], $0x200  }
0x1f: {  	[sflag:s5] =	ssyncset.done $0x0  }
0x20: {  	[sflag:s5] =	ssyncadd.s32 $0xFFFFFE00  }
0x21: {  	v3 =	vld [tilespmem:$0x0];
	_ =	sdelay $0x4  }
0x22: {  	v4 =	vshll.u32 v3, $0x1  }
0x23: {  	v3 =	vand.u32 $0x7, v3;
	v4 =	vand.u32 $0xFFFFFFF0, v4  }
0x24: {  	v3 =	vor.u32 v3, v4  }
0x25: {  	v4 =	vperm.xlane v3, v0;
	_ =	sdelay $0x1  }
0x26: {  	v3 =	vperm.xlane v3, v2;
	v4 =	vadd.s32 v1, v4;
	_ =	sdelay $0x1  }
0x27: {  	v3 =	vadd.s32 v1, v3;
	_ =	sdelay $0x2  }
0x28: {  	[tilespmem:s6], [sflag:$0x1] =	stream.indirect_vreg.gather [hbm4b:s2+s3], $0x80, v4, vm0, $0xb8;
	[tilespmem:$0x12200] =	vst v63  }
0x29: {  	s7 =	rddreg [dreg:$0x5]  }
0x2a: {  	[tilespmem:s7], [sflag:$0x1] =	stream.indirect_vreg.gather [hbm4b:s2+s3], $0x80, v3, vm0, $0xb8;
	[tilespmem:$0x12200] =	vst v63  }
0x2b: {  	v3 =	vld [tilespmem:$0x10];
	_ =	sdelay $0x4  }
0x2c: {  	v45 =	vshll.u32 v3, $0x1  }
0x2d: {  	v3 =	vand.u32 $0x7, v3;
	v4 =	vand.u32 $0xFFFFFFF0, v45  }
0x2e: {  	v3 =	vor.u32 v3, v4  }
0x2f: {  	v4 =	vperm.xlane v3, v0;
	_ =	sdelay $0x1  }
0x30: {  	v3 =	vperm.xlane v3, v2;
	v4 =	vadd.s32 v1, v4;
	_ =	sdelay $0x1  }
0x31: {  	v3 =	vadd.s32 v1, v3;
	_ =	sdelay $0x1  }
0x32: {  	s1 =	rddreg [dreg:$0x6]  }
0x33: {  	[tilespmem:s1], [sflag:$0x1] =	stream.indirect_vreg.gather [hbm4b:s2+s3], $0x80, v4, vm0, $0xb8;
	[tilespmem:$0x12200] =	vst v63  }
0x34: {  	s7 =	rddreg [dreg:$0x7]  }
0x35: {  	[tilespmem:s7], [sflag:$0x1] =	stream.indirect_vreg.gather [hbm4b:s2+s3], $0x80, v3, vm0, $0xb8;
	[tilespmem:$0x12200] =	vst v63  }
0x36: {  	v3 =	vld [tilespmem:$0x20];
	_ =	sdelay $0x4  }
0x37: {  	v46 =	vshll.u32 v3, $0x1  }
0x38: {  	v3 =	vand.u32 $0x7, v3;
	v4 =	vand.u32 $0xFFFFFFF0, v46  }
0x39: {  	v3 =	vor.u32 v3, v4  }
0x3a: {  	v4 =	vperm.xlane v3, v0;
	_ =	sdelay $0x1  }
0x3b: {  	v3 =	vperm.xlane v3, v2;
	v4 =	vadd.s32 v1, v4;
	_ =	sdelay $0x1  }
0x3c: {  	v3 =	vadd.s32 v1, v3;
	_ =	sdelay $0x1  }
0x3d: {  	s1 =	rddreg [dreg:$0x8]  }
0x3e: {  	[tilespmem:s1], [sflag:$0x1] =	stream.indirect_vreg.gather [hbm4b:s2+s3], $0x80, v4, vm0, $0xb8;
	[tilespmem:$0x12200] =	vst v63  }
0x3f: {  	s7 =	rddreg [dreg:$0x9]  }
0x40: {  	[tilespmem:s7], [sflag:$0x1] =	stream.indirect_vreg.gather [hbm4b:s2+s3], $0x80, v3, vm0, $0xb8;
	[tilespmem:$0x12200] =	vst v63  }
0x41: {  	v3 =	vld [tilespmem:$0x30];
	_ =	sdelay $0x4  }
0x42: {  	v47 =	vshll.u32 v3, $0x1  }
0x43: {  	v3 =	vand.u32 $0x7, v3;
	v4 =	vand.u32 $0xFFFFFFF0, v47  }
0x44: {  	v3 =	vor.u32 v3, v4  }
0x45: {  	v4 =	vperm.xlane v3, v0;
	_ =	sdelay $0x1  }
0x46: {  	v3 =	vperm.xlane v3, v2;
	v4 =	vadd.s32 v1, v4;
	_ =	sdelay $0x1  }
0x47: {  	v3 =	vadd.s32 v1, v3;
	_ =	sdelay $0x1  }
0x48: {  	s1 =	rddreg [dreg:$0xa]  }
0x49: {  	[tilespmem:s1], [sflag:$0x1] =	stream.indirect_vreg.gather [hbm4b:s2+s3], $0x80, v4, vm0, $0xb8;
	[tilespmem:$0x12200] =	vst v63  }
0x4a: {  	s7 =	rddreg [dreg:$0xb]  }
0x4b: {  	[tilespmem:s7], [sflag:$0x1] =	stream.indirect_vreg.gather [hbm4b:s2+s3], $0x80, v3, vm0, $0xb8;
	[tilespmem:$0x12200] =	vst v63  }
0x4c: {  	v3 =	vld.msk [tilespmem:$0x40], $0xff;
	_ =	sdelay $0x4  }
0x4d: {  	v48 =	vshll.u32 v3, $0x1  }
0x4e: {  	v3 =	vand.u32 $0x7, v3;
	v4 =	vand.u32 $0xFFFFFFF0, v48  }
0x4f: {  	v3 =	vor.u32 v3, v4  }
0x50: {  	v3 =	vperm.xlane v3, v0;
	_ =	sdelay $0x1  }
0x51: {  	v3 =	vadd.s32 v1, v3;
	_ =	sdelay $0x3  }
0x52: {  	s7 =	rddreg [dreg:$0xc]  }
0x53: {  	[tilespmem:s7], [sflag:$0x1] =	stream.indirect_vreg.gather [hbm4b:s2+s3], $0x80, v3, vm0, $0xb8;
	[tilespmem:$0x12200] =	vst v63  }
0x54: {  	v3 =	vld [tilespmem:$0x80];
	_ =	sdelay $0x4  }
0x55: {  	v49 =	vshll.u32 v3, $0x1  }
0x56: {  	v3 =	vand.u32 $0x7, v3;
	v4 =	vand.u32 $0xFFFFFFF0, v49  }
0x57: {  	v3 =	vor.u32 v3, v4  }
0x58: {  	v4 =	vperm.xlane v3, v0;
	_ =	sdelay $0x1  }
0x59: {  	v3 =	vperm.xlane v3, v2;
	v4 =	vadd.s32 v1, v4;
	_ =	sdelay $0x1  }
0x5a: {  	v3 =	vadd.s32 v1, v3;
	_ =	sdelay $0x1  }
0x5b: {  	s1 =	rddreg [dreg:$0xd]  }
0x5c: {  	[tilespmem:s1], [sflag:$0x2] =	stream.indirect_vreg.gather [hbm4b:s2+s3], $0x80, v4, vm0, $0xb8;
	[tilespmem:$0x12200] =	vst v63  }
0x5d: {  	s7 =	rddreg [dreg:$0xe]  }
0x5e: {  	[tilespmem:s7], [sflag:$0x2] =	stream.indirect_vreg.gather [hbm4b:s2+s3], $0x80, v3, vm0, $0xb8;
	[tilespmem:$0x12200] =	vst v63  }
0x5f: {  	v3 =	vld [tilespmem:$0x90];
	_ =	sdelay $0x4  }
0x60: {  	v50 =	vshll.u32 v3, $0x1  }
0x61: {  	v3 =	vand.u32 $0x7, v3;
	v4 =	vand.u32 $0xFFFFFFF0, v50  }
0x62: {  	v3 =	vor.u32 v3, v4  }
0x63: {  	v4 =	vperm.xlane v3, v0;
	_ =	sdelay $0x1  }
0x64: {  	v3 =	vperm.xlane v3, v2;
	v4 =	vadd.s32 v1, v4;
	_ =	sdelay $0x1  }
0x65: {  	v3 =	vadd.s32 v1, v3;
	_ =	sdelay $0x1  }
0x66: {  	s1 =	rddreg [dreg:$0xf]  }
0x67: {  	[tilespmem:s1], [sflag:$0x2] =	stream.indirect_vreg.gather [hbm4b:s2+s3], $0x80, v4, vm0, $0xb8;
	[tilespmem:$0x12200] =	vst v63  }
0x68: {  	s7 =	rddreg [dreg:$0x10]  }
0x69: {  	[tilespmem:s7], [sflag:$0x2] =	stream.indirect_vreg.gather [hbm4b:s2+s3], $0x80, v3, vm0, $0xb8;
	[tilespmem:$0x12200] =	vst v63  }
0x6a: {  	v3 =	vld [tilespmem:$0xA0];
	_ =	sdelay $0x4  }
0x6b: {  	v51 =	vshll.u32 v3, $0x1  }
0x6c: {  	v3 =	vand.u32 $0x7, v3;
	v4 =	vand.u32 $0xFFFFFFF0, v51  }
0x6d: {  	v3 =	vor.u32 v3, v4  }
0x6e: {  	v4 =	vperm.xlane v3, v0;
	_ =	sdelay $0x1  }
0x6f: {  	v3 =	vperm.xlane v3, v2;
	v4 =	vadd.s32 v1, v4;
	_ =	sdelay $0x1  }
0x70: {  	v3 =	vadd.s32 v1, v3;
	_ =	sdelay $0x1  }
0x71: {  	s1 =	rddreg [dreg:$0x11]  }
0x72: {  	[tilespmem:s1], [sflag:$0x2] =	stream.indirect_vreg.gather [hbm4b:s2+s3], $0x80, v4, vm0, $0xb8;
	[tilespmem:$0x12200] =	vst v63  }
0x73: {  	s7 =	rddreg [dreg:$0x12]  }
0x74: {  	[tilespmem:s7], [sflag:$0x2] =	stream.indirect_vreg.gather [hbm4b:s2+s3], $0x80, v3, vm0, $0xb8;
	[tilespmem:$0x12200] =	vst v63  }
0x75: {  	v3 =	vld [tilespmem:$0xB0];
	_ =	sdelay $0x4  }
0x76: {  	v52 =	vshll.u32 v3, $0x1  }
0x77: {  	v3 =	vand.u32 $0x7, v3;
	v4 =	vand.u32 $0xFFFFFFF0, v52  }
0x78: {  	v3 =	vor.u32 v3, v4  }
0x79: {  	v4 =	vperm.xlane v3, v0;
	_ =	sdelay $0x1  }
0x7a: {  	v3 =	vperm.xlane v3, v2;
	v4 =	vadd.s32 v1, v4;
	_ =	sdelay $0x1  }
0x7b: {  	v3 =	vadd.s32 v1, v3;
	_ =	sdelay $0x1  }
0x7c: {  	s7 =	simm.s32 $0x7A00  }
0x7d: {  	[tilespmem:s7], [sflag:$0x2] =	stream.indirect_vreg.gather [hbm4b:s2+s3], $0x80, v4, vm0, $0xb8;
	[tilespmem:$0x12200] =	vst v63  }
0x7e: {  	_ = 	snop  }
0x7f: {  	[tilespmem:s8], [sflag:$0x2] =	stream.indirect_vreg.gather [hbm4b:s2+s3], $0x80, v3, vm0, $0xb8;
	[tilespmem:$0x12200] =	vst v63  }
0x80: {  	v3 =	vld.msk [tilespmem:$0xC0], $0xff;
	_ =	sdelay $0x4  }
0x81: {  	v53 =	vshll.u32 v3, $0x1  }
0x82: {  	v3 =	vand.u32 $0x7, v3;
	v4 =	vand.u32 $0xFFFFFFF0, v53  }
0x83: {  	v3 =	vor.u32 v3, v4  }
0x84: {  	v3 =	vperm.xlane v3, v0;
	_ =	sdelay $0x1  }
0x85: {  	v3 =	vadd.s32 v1, v3;
	_ =	sdelay $0x4  }
0x86: {  	[tilespmem:s9], [sflag:$0x2] =	stream.indirect_vreg.gather [hbm4b:s2+s3], $0x80, v3, vm0, $0xb8;
	[tilespmem:$0x12200] =	vst v63  }
0x87: {  	v3 =	vld [tilespmem:$0x100];
	_ =	sdelay $0x4  }
0x88: {  	v54 =	vshll.u32 v3, $0x1  }
0x89: {  	v3 =	vand.u32 $0x7, v3;
	v4 =	vand.u32 $0xFFFFFFF0, v54  }
0x8a: {  	v3 =	vor.u32 v3, v4  }
0x8b: {  	v4 =	vperm.xlane v3, v0;
	_ =	sdelay $0x1  }
0x8c: {  	v3 =	vperm.xlane v3, v2;
	v4 =	vadd.s32 v1, v4;
	_ =	sdelay $0x1  }
0x8d: {  	v3 =	vadd.s32 v1, v3;
	_ =	sdelay $0x2  }
0x8e: {  	[tilespmem:s10], [sflag:$0x3] =	stream.indirect_vreg.gather [hbm4b:s2+s3], $0x80, v4, vm0, $0xb8;
	[tilespmem:$0x12200] =	vst v63  }
0x8f: {  	_ = 	snop  }
0x90: {  	[tilespmem:s11], [sflag:$0x3] =	stream.indirect_vreg.gather [hbm4b:s2+s3], $0x80, v3, vm0, $0xb8;
	[tilespmem:$0x12200] =	vst v63  }
0x91: {  	v3 =	vld [tilespmem:$0x110];
	_ =	sdelay $0x4  }
0x92: {  	v55 =	vshll.u32 v3, $0x1  }
0x93: {  	v3 =	vand.u32 $0x7, v3;
	v4 =	vand.u32 $0xFFFFFFF0, v55  }
0x94: {  	v3 =	vor.u32 v3, v4  }
0x95: {  	v4 =	vperm.xlane v3, v0;
	_ =	sdelay $0x1  }
0x96: {  	v3 =	vperm.xlane v3, v2;
	v4 =	vadd.s32 v1, v4;
	_ =	sdelay $0x1  }
0x97: {  	v3 =	vadd.s32 v1, v3;
	_ =	sdelay $0x2  }
0x98: {  	[tilespmem:s12], [sflag:$0x3] =	stream.indirect_vreg.gather [hbm4b:s2+s3], $0x80, v4, vm0, $0xb8;
	[tilespmem:$0x12200] =	vst v63  }
0x99: {  	_ = 	snop  }
0x9a: {  	[tilespmem:s13], [sflag:$0x3] =	stream.indirect_vreg.gather [hbm4b:s2+s3], $0x80, v3, vm0, $0xb8;
	[tilespmem:$0x12200] =	vst v63  }
0x9b: {  	v3 =	vld [tilespmem:$0x120];
	_ =	sdelay $0x4  }
0x9c: {  	v56 =	vshll.u32 v3, $0x1  }
0x9d: {  	v3 =	vand.u32 $0x7, v3;
	v4 =	vand.u32 $0xFFFFFFF0, v56  }
0x9e: {  	v3 =	vor.u32 v3, v4  }
0x9f: {  	v4 =	vperm.xlane v3, v0;
	_ =	sdelay $0x1  }
0xa0: {  	v3 =	vperm.xlane v3, v2;
	v4 =	vadd.s32 v1, v4;
	_ =	sdelay $0x1  }
0xa1: {  	v3 =	vadd.s32 v1, v3;
	_ =	sdelay $0x2  }
0xa2: {  	[tilespmem:s14], [sflag:$0x3] =	stream.indirect_vreg.gather [hbm4b:s2+s3], $0x80, v4, vm0, $0xb8;
	[tilespmem:$0x12200] =	vst v63  }
0xa3: {  	_ = 	snop  }
0xa4: {  	[tilespmem:s15], [sflag:$0x3] =	stream.indirect_vreg.gather [hbm4b:s2+s3], $0x80, v3, vm0, $0xb8;
	[tilespmem:$0x12200] =	vst v63  }
0xa5: {  	v3 =	vld [tilespmem:$0x130];
	_ =	sdelay $0x4  }
0xa6: {  	v57 =	vshll.u32 v3, $0x1  }
0xa7: {  	v3 =	vand.u32 $0x7, v3;
	v4 =	vand.u32 $0xFFFFFFF0, v57  }
0xa8: {  	v3 =	vor.u32 v3, v4  }
0xa9: {  	v4 =	vperm.xlane v3, v0;
	_ =	sdelay $0x1  }
0xaa: {  	v3 =	vperm.xlane v3, v2;
	v4 =	vadd.s32 v1, v4;
	_ =	sdelay $0x1  }
0xab: {  	v3 =	vadd.s32 v1, v3;
	_ =	sdelay $0x2  }
0xac: {  	[tilespmem:s16], [sflag:$0x3] =	stream.indirect_vreg.gather [hbm4b:s2+s3], $0x80, v4, vm0, $0xb8;
	[tilespmem:$0x12200] =	vst v63  }
0xad: {  	_ = 	snop  }
0xae: {  	[tilespmem:s17], [sflag:$0x3] =	stream.indirect_vreg.gather [hbm4b:s2+s3], $0x80, v3, vm0, $0xb8;
	[tilespmem:$0x12200] =	vst v63  }
0xaf: {  	v3 =	vld.msk [tilespmem:$0x140], $0xff;
	_ =	sdelay $0x4  }
0xb0: {  	v58 =	vshll.u32 v3, $0x1  }
0xb1: {  	v3 =	vand.u32 $0x7, v3;
	v4 =	vand.u32 $0xFFFFFFF0, v58  }
0xb2: {  	v3 =	vor.u32 v3, v4  }
0xb3: {  	v3 =	vperm.xlane v3, v0;
	_ =	sdelay $0x1  }
0xb4: {  	v3 =	vadd.s32 v1, v3;
	_ =	sdelay $0x4  }
0xb5: {  	[tilespmem:s18], [sflag:$0x3] =	stream.indirect_vreg.gather [hbm4b:s2+s3], $0x80, v3, vm0, $0xb8;
	[tilespmem:$0x12200] =	vst v63  }
0xb6: {  	v3 =	vld [tilespmem:$0x180];
	_ =	sdelay $0x4  }
0xb7: {  	v59 =	vshll.u32 v3, $0x1  }
0xb8: {  	v3 =	vand.u32 $0x7, v3;
	v4 =	vand.u32 $0xFFFFFFF0, v59  }
0xb9: {  	v3 =	vor.u32 v3, v4  }
0xba: {  	v4 =	vperm.xlane v3, v0;
	_ =	sdelay $0x1  }
0xbb: {  	v3 =	vperm.xlane v3, v2;
	v4 =	vadd.s32 v1, v4;
	_ =	sdelay $0x1  }
0xbc: {  	v3 =	vadd.s32 v1, v3;
	_ =	sdelay $0x2  }
0xbd: {  	[tilespmem:s19], [sflag:$0x4] =	stream.indirect_vreg.gather [hbm4b:s2+s3], $0x80, v4, vm0, $0xb8;
	[tilespmem:$0x12200] =	vst v63  }
0xbe: {  	_ = 	snop  }
0xbf: {  	[tilespmem:s20], [sflag:$0x4] =	stream.indirect_vreg.gather [hbm4b:s2+s3], $0x80, v3, vm0, $0xb8;
	[tilespmem:$0x12200] =	vst v63  }
0xc0: {  	v3 =	vld [tilespmem:$0x190];
	_ =	sdelay $0x4  }
0xc1: {  	v60 =	vshll.u32 v3, $0x1  }
0xc2: {  	v3 =	vand.u32 $0x7, v3;
	v4 =	vand.u32 $0xFFFFFFF0, v60  }
0xc3: {  	v3 =	vor.u32 v3, v4  }
0xc4: {  	v4 =	vperm.xlane v3, v0;
	_ =	sdelay $0x1  }
0xc5: {  	v3 =	vperm.xlane v3, v2;
	v4 =	vadd.s32 v1, v4;
	_ =	sdelay $0x1  }
0xc6: {  	v3 =	vadd.s32 v1, v3;
	_ =	sdelay $0x2  }
0xc7: {  	[tilespmem:s21], [sflag:$0x4] =	stream.indirect_vreg.gather [hbm4b:s2+s3], $0x80, v4, vm0, $0xb8;
	[tilespmem:$0x12200] =	vst v63  }
0xc8: {  	_ = 	snop  }
0xc9: {  	[tilespmem:s22], [sflag:$0x4] =	stream.indirect_vreg.gather [hbm4b:s2+s3], $0x80, v3, vm0, $0xb8;
	[tilespmem:$0x12200] =	vst v63  }
0xca: {  	v3 =	vld [tilespmem:$0x1A0];
	_ =	sdelay $0x4  }
0xcb: {  	v61 =	vshll.u32 v3, $0x1  }
0xcc: {  	v3 =	vand.u32 $0x7, v3;
	v4 =	vand.u32 $0xFFFFFFF0, v61  }
0xcd: {  	v3 =	vor.u32 v3, v4  }
0xce: {  	v4 =	vperm.xlane v3, v0;
	_ =	sdelay $0x1  }
0xcf: {  	v3 =	vperm.xlane v3, v2;
	v4 =	vadd.s32 v1, v4;
	_ =	sdelay $0x1  }
0xd0: {  	v3 =	vadd.s32 v1, v3;
	_ =	sdelay $0x2  }
0xd1: {  	[tilespmem:s23], [sflag:$0x4] =	stream.indirect_vreg.gather [hbm4b:s2+s3], $0x80, v4, vm0, $0xb8;
	[tilespmem:$0x12200] =	vst v63  }
0xd2: {  	_ = 	snop  }
0xd3: {  	[tilespmem:s24], [sflag:$0x4] =	stream.indirect_vreg.gather [hbm4b:s2+s3], $0x80, v3, vm0, $0xb8;
	[tilespmem:$0x12200] =	vst v63  }
0xd4: {  	v3 =	vld [tilespmem:$0x1B0];
	_ =	sdelay $0x4  }
0xd5: {  	v62 =	vshll.u32 v3, $0x1  }
0xd6: {  	v3 =	vand.u32 $0x7, v3;
	v4 =	vand.u32 $0xFFFFFFF0, v62  }
0xd7: {  	v3 =	vor.u32 v3, v4  }
0xd8: {  	v4 =	vperm.xlane v3, v0;
	_ =	sdelay $0x1  }
0xd9: {  	v3 =	vperm.xlane v3, v2;
	v4 =	vadd.s32 v1, v4;
	_ =	sdelay $0x1  }
0xda: {  	v3 =	vadd.s32 v1, v3;
	_ =	sdelay $0x2  }
0xdb: {  	[tilespmem:s25], [sflag:$0x4] =	stream.indirect_vreg.gather [hbm4b:s2+s3], $0x80, v4, vm0, $0xb8;
	[tilespmem:$0x12200] =	vst v63  }
0xdc: {  	_ = 	snop  }
0xdd: {  	[tilespmem:s26], [sflag:$0x4] =	stream.indirect_vreg.gather [hbm4b:s2+s3], $0x80, v3, vm0, $0xb8;
	[tilespmem:$0x12200] =	vst v63  }
0xde: {  	v3 =	vld.msk [tilespmem:$0x1C0], $0xff;
	_ =	sdelay $0x4  }
0xdf: {  	v63 =	vshll.u32 v3, $0x1  }
0xe0: {  	v3 =	vand.u32 $0x7, v3;
	v4 =	vand.u32 $0xFFFFFFF0, v63  }
0xe1: {  	v3 =	vor.u32 v3, v4  }
0xe2: {  	v3 =	vperm.xlane v3, v0;
	_ =	sdelay $0x1  }
0xe3: {  	v3 =	vadd.s32 v1, v3;
	_ =	sdelay $0x4  }
0xe4: {  	[tilespmem:s28], [sflag:$0x4] =	stream.indirect_vreg.gather [hbm4b:s2+s3], $0x80, v3, vm0, $0xb8;
	[tilespmem:$0x12200] =	vst v63  }
0xe5: {  	_ =	swait.ge [sflag:s29], $0x4800  }
0xe6: {  	[sflag:s29] =	ssyncset.done $0x0  }
0xe7: {  	[sflag:s29] =	ssyncadd.s32 $0xFFFFB800  }
0xe8: {  	_ =	swait.ge [sflag:s30], $0x4800  }
0xe9: {  	[sflag:s30] =	ssyncset.done $0x0  }
0xea: {  	[sflag:s30] =	ssyncadd.s32 $0xFFFFB800  }
0xeb: {  	_ =	swait.ge [sflag:s31], $0x4800  }
0xec: {  	[sflag:s31] =	ssyncset.done $0x0  }
0xed: {  	[sflag:s31] =	ssyncadd.s32 $0xFFFFB800  }
0xee: {  	_ =	swait.ge [sflag:s0], $0x4800  }
0xef: {  	p0 =	sne.s32 s4, $0x1;
	[sflag:s0] =	ssyncset.done $0x0  }
.Ltmp0:
0xf0: {  	s7 =	rddreg [dreg:$0x4];
	[sflag:s0] =	ssyncadd.s32 $0xFFFFB800;
	(pc) =	sbr.rel @p0 .LBB2_1-.Ltmp0, $4  }
0xf1: {  	[hbm4b:s7+s3] =	stream.linear.scatter [tilespmem:s6], [sflag:$0x5], $0x12000, $0x38;
	[tilespmem:$0x12200] =	vst v63  }
0xf2: {  	_ =	swait.ge [sflag:s5], $0x12000  }
0xf3: {  	[sflag:s5] =	ssyncset.done $0x0  }
0xf4: {  	s4 =	sadd.s32 $0xFFFFFFFF, s4;
	[sflag:s5] =	ssyncadd.s32 $0xFFFEE000  }
0xf5: {  	_ =	sfence.sel $0x180000  }
0xf6: {  	[bflag:$0x0] =	sbarrier.arrive $0xFFFF  }
0xf7: {  	_ =	strace $0x90000047  }
0xf8: {  	s0 =	stileid.u32;
	[bflag:$0x2] =	sbarrier.arrive $0xFFFF  }
0xf9: {  	p0 =	sne.s32 s0, $0x0;
	s0 =	rddreg [dreg:$0x2]  }
0xfa: {  	s0 =	sadd.s32 @!p0 $0x100000, s0  }
0xfb: {  	[sflag:s0] =	ssyncadd.tile.s32 @!p0 $0x1;
	_ =	shalt  }
.Lfunc_end2:
_tile_overlayer_lowered:
.L_overlay_start_2:
0xfc: {  	(tag) =	ssettag $0x2  }
0xfd: {  	s0 =	rddreg [dreg:$0x0];
	s2 =	stileid.u32  }
0xfe: {  	s1 =	rddreg [dreg:$0x1];
	p0 =	sne.s32 s2, $0x0  }
0xff: {  	s3 =	rddreg [dreg:$0x2];
	[bflag:$0x3] =	sbarrier.arrive $0xFFFF;
	s2 =	simm.s32 @!p0 $0x1C05  }
0x100: {  	[timem:s3], [sflag:s2] =	dma.local @!p0 [hbm:s0], s1  }
0x101: {  	s0 =	simm.s32 @!p0 $0x5  }
0x102: {  	_ =	swait.ge @!p0 [sflag:s0], s1  }
0x103: {  	s1 =	ssub.s32 @!p0 $0x0, s1;
	[sflag:s0] =	ssyncset.done @!p0 $0x0  }
0x104: {  	[sflag:s0] =	ssyncadd.s32 @!p0 s1  }
0x105: {  	[bflag:$0x3] =	sbarrier.arrive $0xFFFF  }
0x106: {  	_ =	shalt  }

</sc_bundles>
